<compile_context>
chip_gen: v7x
topology: tpu7x:2x2x1
jax: 0.10.2.dev20260603
libtpu: 0.0.44.dev20260713+nightly
codegen_flags: <defaults>
</compile_context>

<pallas_src>
import functools

import jax
import jax.numpy as jnp
from jax import lax
from jax.experimental import pallas as pl
from jax.experimental.pallas import tpu as pltpu
from jax.experimental.pallas import tpu_sc as plsc


def _scatter_add_sc(x, index, n_rows):
    E, D = x.shape
    info = plsc.get_sparse_core_info()
    NC, NS, L = info.num_cores, info.num_subcores, info.num_lanes
    B = 40
    EPT = E // (NC * NS)
    CH = EPT // B
    NBUF = 5
    NGRP = CH // NBUF
    RPT = n_rows // NS
    ZR = 25

    mesh = plsc.VectorSubcoreMesh(core_axis_name="c", subcore_axis_name="s")

    @functools.partial(
        pl.kernel,
        out_type=jax.ShapeDtypeStruct((n_rows, D), jnp.float32),
        mesh=mesh,
        scratch_types=[
            pltpu.VMEM_SHARED((n_rows, D), jnp.float32),
            pltpu.VMEM((CH, B), jnp.int32),
            pltpu.VMEM((NBUF, B, D), jnp.float32),
            pltpu.VMEM((ZR, D), jnp.float32),
            pltpu.SemaphoreType.DMA((NBUF,)),
            pltpu.SemaphoreType.DMA((NBUF,)),
        ],
        compiler_params=pltpu.CompilerParams(use_tc_tiling_on_sc=False,
                                             skip_device_barrier=True),
    )
    def k(x_hbm, idx_hbm, out_hbm, acc, idx_v, xbuf, zbuf, xsem, ssem):
        c = lax.axis_index("c")
        s = lax.axis_index("s")
        w = c * NS + s
        e0 = w * EPT

        def x_copy(b, t):
            base = e0 + t * B
            return pltpu.make_async_copy(
                x_hbm.at[pl.ds(base, B)], xbuf.at[b], xsem.at[b])

        def start_load(b, t):
            base = e0 + t * B
            pltpu.async_copy(x_hbm.at[pl.ds(base, B)], xbuf.at[b], xsem.at[b])

        for b in range(NBUF):
            start_load(b, b)
        pltpu.sync_copy(idx_hbm.at[w], idx_v)

        zero = jnp.zeros((L,), jnp.float32)
        qn = D // L

        def zstore(r, carry):
            for q in range(qn):
                zbuf[r, pl.ds(q * L, L)] = zero
            return carry

        lax.fori_loop(0, ZR, zstore, 0)
        r0 = s * RPT
        for kk in range(RPT // ZR):
            pltpu.sync_copy(zbuf, acc.at[pl.ds(r0 + kk * ZR, ZR)])
        plsc.subcore_barrier()

        def sc_copy(b, t):
            return pltpu.make_async_copy(
                xbuf.at[b], acc.at[idx_v.at[t]], ssem.at[b])

        def grp(g, carry):
            for b in range(NBUF):
                t = g * NBUF + b
                x_copy(b, t).wait()
                pltpu.async_copy(xbuf.at[b], acc.at[idx_v.at[t]],
                                 ssem.at[b], add=True)
                bp = (b - 1) % NBUF

                def drain_refill(tp=t - 1, bp=bp):
                    sc_copy(bp, tp).wait()

                    @pl.when(tp + NBUF < CH)
                    def _():
                        start_load(bp, tp + NBUF)

                if b == 0:
                    @pl.when(g > 0)
                    def _():
                        drain_refill()
                else:
                    drain_refill()
            return carry

        lax.fori_loop(0, NGRP, grp, 0)
        sc_copy(NBUF - 1, CH - 1).wait()
        plsc.subcore_barrier()

        pltpu.sync_copy(acc.at[pl.ds(r0, RPT)], out_hbm.at[pl.ds(r0, RPT)])

    return k(x, index.reshape(NC * NS, CH, B))


def kernel(x, index, reference):
    return _scatter_add_sc(x, index, reference.shape[0])

# --- scband reference (transcript-rebuilt; emitter-appended) ---
"""Pipeline reference for scband-aggregate-24953759989853 (READ-ONLY COPY).

The authoritative reference and input builder live on the scoring server;
editing this copy changes nothing except your own understanding.
"""

import jax, jax.numpy as jnp
import numpy as np

E = 320000
N = 10000
D = 128

def setup_inputs(seed: int = 0) -> dict:
    key = jax.random.key(seed)
    k1, k2 = jax.random.split(key, 2)
    x = jax.random.normal(k1, (E, D), dtype=jnp.float32)
    index = jax.random.randint(k2, (E,), 0, N, dtype=jnp.int32)
    reference = jnp.zeros((N, D), dtype=jnp.float32)
    return {"x": x, "index": index, "reference": reference}

def reference(x, index, reference):
    # Aggregate layer with pooling_method='scatter_sum', axis=0.
    # Output shape = reference.shape[:1] + x.shape[1:]
    shape = (reference.shape[0],) + tuple(x.shape[1:])
    out = jnp.zeros(shape, dtype=x.dtype).at[index].add(x)
    return out

if __name__ == "__main__":
    import jax
    _d = setup_inputs()
    print(jax.jit(kernel)(*tuple(_d.values())))

</pallas_src>

<mosaic_0001>
#map = affine_map<(d0, d1) -> (0, 0)>
#map1 = affine_map<(d0, d1) -> (0, 0, 0)>
module attributes {stable_mosaic.version = 14 : i64} {
  func.func @k(%arg0: i32, %arg1: i32, %arg2: memref<320000x128xf32, #tpu.memory_space<hbm>>, %arg3: memref<32x250x40xi32, #tpu.memory_space<hbm>>, %arg4: memref<10000x128xf32, #tpu.memory_space<hbm>>, %arg5: memref<10000x128xf32, #tpu.memory_space<vmem_shared>>, %arg6: memref<250x40xi32, #tpu.memory_space<vmem>>, %arg7: memref<5x40x128xf32, #tpu.memory_space<vmem>>, %arg8: memref<25x128xf32, #tpu.memory_space<vmem>>, %arg9: memref<5x!tpu.dma_semaphore, #tpu.memory_space<semaphore_mem>>, %arg10: memref<5x!tpu.dma_semaphore, #tpu.memory_space<semaphore_mem>>) attributes {dimension_semantics = [#tpu.dimension_semantics<core_parallel>, #tpu.dimension_semantics<subcore_parallel>], iteration_bounds = array<i64: 2, 16>, scalar_prefetch = 0 : i64, scratch_operands = 6 : i64, tpu.core_type = #tpu.core_type<sc_vector_subcore>, window_params = [{transform_indices = #map}, {transform_indices = #map1}, {transform_indices = #map}]} {
    %mul3A = arith.constant 16 : i32
    %mul3A_0 = arith.muli %arg0, %mul3A : i32
    %add3A = arith.addi %mul3A_0, %arg1 : i32
    %mul3A_1 = arith.constant 10000 : i32
    %mul3A_2 = arith.muli %add3A, %mul3A_1 : i32
    %add3A_3 = arith.constant 0 : i32
    %add3A_4 = arith.addi %mul3A_2, %add3A_3 : i32
    %dma_start3A = arith.constant 0 : i32
    %dma_start3A_5 = arith.constant 0 : i32
    %dma_start3A_6 = arith.constant 0 : i32
    %dma_start3A_7 = arith.constant 0 : i32
    %dma_start3A_8 = tpu.memref_slice %arg7[%dma_start3A, %dma_start3A_6, %dma_start3A_7] : memref<5x40x128xf32, #tpu.memory_space<vmem>> -> memref<1x40x128xf32, #tpu.memory_space<vmem>>
    %dma_start3A_9 = tpu.memref_squeeze %dma_start3A_8 : memref<1x40x128xf32, #tpu.memory_space<vmem>> -> memref<40x128xf32, #tpu.memory_space<vmem>>
    %dma_start3A_10 = arith.constant 0 : i32
    %dma_start3A_11 = tpu.memref_slice %arg2[%add3A_4, %dma_start3A_10] : memref<320000x128xf32, #tpu.memory_space<hbm>> -> memref<40x128xf32, #tpu.memory_space<hbm>>
    %dma_start3A_12 = tpu.memref_slice %arg9[%dma_start3A_5] : memref<5x!tpu.dma_semaphore, #tpu.memory_space<semaphore_mem>> -> memref<1x!tpu.dma_semaphore, #tpu.memory_space<semaphore_mem>>
    %dma_start3A_13 = tpu.memref_squeeze %dma_start3A_12 : memref<1x!tpu.dma_semaphore, #tpu.memory_space<semaphore_mem>> -> memref<!tpu.dma_semaphore, #tpu.memory_space<semaphore_mem>>
    %dma_start3A_14 = arith.constant 0 : i32
    %dma_start3A_15 = arith.constant 0 : i32
    %dma_start3A_16 = tpu.memref_slice %arg7[%dma_start3A, %dma_start3A_14, %dma_start3A_15] : memref<5x40x128xf32, #tpu.memory_space<vmem>> -> memref<1x40x128xf32, #tpu.memory_space<vmem>>
    %dma_start3A_17 = tpu.memref_squeeze %dma_start3A_16 : memref<1x40x128xf32, #tpu.memory_space<vmem>> -> memref<40x128xf32, #tpu.memory_space<vmem>>
    %dma_start3A_18 = arith.constant 0 : i32
    %dma_start3A_19 = tpu.memref_slice %arg2[%add3A_4, %dma_start3A_18] : memref<320000x128xf32, #tpu.memory_space<hbm>> -> memref<40x128xf32, #tpu.memory_space<hbm>>
    tpu.enqueue_dma source(%dma_start3A_19 : memref<40x128xf32, #tpu.memory_space<hbm>>) target(%dma_start3A_17 : memref<40x128xf32, #tpu.memory_space<vmem>>) target_semaphore(%dma_start3A_13 : memref<!tpu.dma_semaphore, #tpu.memory_space<semaphore_mem>>)
    %add3A_20 = arith.constant 40 : i32
    %add3A_21 = arith.addi %mul3A_2, %add3A_20 : i32
    %dma_start3A_22 = arith.constant 1 : i32
    %dma_start3A_23 = arith.constant 1 : i32
    %dma_start3A_24 = arith.constant 0 : i32
    %dma_start3A_25 = arith.constant 0 : i32
    %dma_start3A_26 = tpu.memref_slice %arg7[%dma_start3A_22, %dma_start3A_24, %dma_start3A_25] : memref<5x40x128xf32, #tpu.memory_space<vmem>> -> memref<1x40x128xf32, #tpu.memory_space<vmem>>
    %dma_start3A_27 = tpu.memref_squeeze %dma_start3A_26 : memref<1x40x128xf32, #tpu.memory_space<vmem>> -> memref<40x128xf32, #tpu.memory_space<vmem>>
    %dma_start3A_28 = arith.constant 0 : i32
    %dma_start3A_29 = tpu.memref_slice %arg2[%add3A_21, %dma_start3A_28] : memref<320000x128xf32, #tpu.memory_space<hbm>> -> memref<40x128xf32, #tpu.memory_space<hbm>>
    %dma_start3A_30 = tpu.memref_slice %arg9[%dma_start3A_23] : memref<5x!tpu.dma_semaphore, #tpu.memory_space<semaphore_mem>> -> memref<1x!tpu.dma_semaphore, #tpu.memory_space<semaphore_mem>>
    %dma_start3A_31 = tpu.memref_squeeze %dma_start3A_30 : memref<1x!tpu.dma_semaphore, #tpu.memory_space<semaphore_mem>> -> memref<!tpu.dma_semaphore, #tpu.memory_space<semaphore_mem>>
    %dma_start3A_32 = arith.constant 0 : i32
    %dma_start3A_33 = arith.constant 0 : i32
    %dma_start3A_34 = tpu.memref_slice %arg7[%dma_start3A_22, %dma_start3A_32, %dma_start3A_33] : memref<5x40x128xf32, #tpu.memory_space<vmem>> -> memref<1x40x128xf32, #tpu.memory_space<vmem>>
    %dma_start3A_35 = tpu.memref_squeeze %dma_start3A_34 : memref<1x40x128xf32, #tpu.memory_space<vmem>> -> memref<40x128xf32, #tpu.memory_space<vmem>>
    %dma_start3A_36 = arith.constant 0 : i32
    %dma_start3A_37 = tpu.memref_slice %arg2[%add3A_21, %dma_start3A_36] : memref<320000x128xf32, #tpu.memory_space<hbm>> -> memref<40x128xf32, #tpu.memory_space<hbm>>
    tpu.enqueue_dma source(%dma_start3A_37 : memref<40x128xf32, #tpu.memory_space<hbm>>) target(%dma_start3A_35 : memref<40x128xf32, #tpu.memory_space<vmem>>) target_semaphore(%dma_start3A_31 : memref<!tpu.dma_semaphore, #tpu.memory_space<semaphore_mem>>)
    %add3A_38 = arith.constant 80 : i32
    %add3A_39 = arith.addi %mul3A_2, %add3A_38 : i32
    %dma_start3A_40 = arith.constant 2 : i32
    %dma_start3A_41 = arith.constant 2 : i32
    %dma_start3A_42 = arith.constant 0 : i32
    %dma_start3A_43 = arith.constant 0 : i32
    %dma_start3A_44 = tpu.memref_slice %arg7[%dma_start3A_40, %dma_start3A_42, %dma_start3A_43] : memref<5x40x128xf32, #tpu.memory_space<vmem>> -> memref<1x40x128xf32, #tpu.memory_space<vmem>>
    %dma_start3A_45 = tpu.memref_squeeze %dma_start3A_44 : memref<1x40x128xf32, #tpu.memory_space<vmem>> -> memref<40x128xf32, #tpu.memory_space<vmem>>
    %dma_start3A_46 = arith.constant 0 : i32
    %dma_start3A_47 = tpu.memref_slice %arg2[%add3A_39, %dma_start3A_46] : memref<320000x128xf32, #tpu.memory_space<hbm>> -> memref<40x128xf32, #tpu.memory_space<hbm>>
    %dma_start3A_48 = tpu.memref_slice %arg9[%dma_start3A_41] : memref<5x!tpu.dma_semaphore, #tpu.memory_space<semaphore_mem>> -> memref<1x!tpu.dma_semaphore, #tpu.memory_space<semaphore_mem>>
    %dma_start3A_49 = tpu.memref_squeeze %dma_start3A_48 : memref<1x!tpu.dma_semaphore, #tpu.memory_space<semaphore_mem>> -> memref<!tpu.dma_semaphore, #tpu.memory_space<semaphore_mem>>
    %dma_start3A_50 = arith.constant 0 : i32
    %dma_start3A_51 = arith.constant 0 : i32
    %dma_start3A_52 = tpu.memref_slice %arg7[%dma_start3A_40, %dma_start3A_50, %dma_start3A_51] : memref<5x40x128xf32, #tpu.memory_space<vmem>> -> memref<1x40x128xf32, #tpu.memory_space<vmem>>
    %dma_start3A_53 = tpu.memref_squeeze %dma_start3A_52 : memref<1x40x128xf32, #tpu.memory_space<vmem>> -> memref<40x128xf32, #tpu.memory_space<vmem>>
    %dma_start3A_54 = arith.constant 0 : i32
    %dma_start3A_55 = tpu.memref_slice %arg2[%add3A_39, %dma_start3A_54] : memref<320000x128xf32, #tpu.memory_space<hbm>> -> memref<40x128xf32, #tpu.memory_space<hbm>>
    tpu.enqueue_dma source(%dma_start3A_55 : memref<40x128xf32, #tpu.memory_space<hbm>>) target(%dma_start3A_53 : memref<40x128xf32, #tpu.memory_space<vmem>>) target_semaphore(%dma_start3A_49 : memref<!tpu.dma_semaphore, #tpu.memory_space<semaphore_mem>>)
    %add3A_56 = arith.constant 120 : i32
    %add3A_57 = arith.addi %mul3A_2, %add3A_56 : i32
    %dma_start3A_58 = arith.constant 3 : i32
    %dma_start3A_59 = arith.constant 3 : i32
    %dma_start3A_60 = arith.constant 0 : i32
    %dma_start3A_61 = arith.constant 0 : i32
    %dma_start3A_62 = tpu.memref_slice %arg7[%dma_start3A_58, %dma_start3A_60, %dma_start3A_61] : memref<5x40x128xf32, #tpu.memory_space<vmem>> -> memref<1x40x128xf32, #tpu.memory_space<vmem>>
    %dma_start3A_63 = tpu.memref_squeeze %dma_start3A_62 : memref<1x40x128xf32, #tpu.memory_space<vmem>> -> memref<40x128xf32, #tpu.memory_space<vmem>>
    %dma_start3A_64 = arith.constant 0 : i32
    %dma_start3A_65 = tpu.memref_slice %arg2[%add3A_57, %dma_start3A_64] : memref<320000x128xf32, #tpu.memory_space<hbm>> -> memref<40x128xf32, #tpu.memory_space<hbm>>
    %dma_start3A_66 = tpu.memref_slice %arg9[%dma_start3A_59] : memref<5x!tpu.dma_semaphore, #tpu.memory_space<semaphore_mem>> -> memref<1x!tpu.dma_semaphore, #tpu.memory_space<semaphore_mem>>
    %dma_start3A_67 = tpu.memref_squeeze %dma_start3A_66 : memref<1x!tpu.dma_semaphore, #tpu.memory_space<semaphore_mem>> -> memref<!tpu.dma_semaphore, #tpu.memory_space<semaphore_mem>>
    %dma_start3A_68 = arith.constant 0 : i32
    %dma_start3A_69 = arith.constant 0 : i32
    %dma_start3A_70 = tpu.memref_slice %arg7[%dma_start3A_58, %dma_start3A_68, %dma_start3A_69] : memref<5x40x128xf32, #tpu.memory_space<vmem>> -> memref<1x40x128xf32, #tpu.memory_space<vmem>>
    %dma_start3A_71 = tpu.memref_squeeze %dma_start3A_70 : memref<1x40x128xf32, #tpu.memory_space<vmem>> -> memref<40x128xf32, #tpu.memory_space<vmem>>
    %dma_start3A_72 = arith.constant 0 : i32
    %dma_start3A_73 = tpu.memref_slice %arg2[%add3A_57, %dma_start3A_72] : memref<320000x128xf32, #tpu.memory_space<hbm>> -> memref<40x128xf32, #tpu.memory_space<hbm>>
    tpu.enqueue_dma source(%dma_start3A_73 : memref<40x128xf32, #tpu.memory_space<hbm>>) target(%dma_start3A_71 : memref<40x128xf32, #tpu.memory_space<vmem>>) target_semaphore(%dma_start3A_67 : memref<!tpu.dma_semaphore, #tpu.memory_space<semaphore_mem>>)
    %add3A_74 = arith.constant 160 : i32
    %add3A_75 = arith.addi %mul3A_2, %add3A_74 : i32
    %dma_start3A_76 = arith.constant 4 : i32
    %dma_start3A_77 = arith.constant 4 : i32
    %dma_start3A_78 = arith.constant 0 : i32
    %dma_start3A_79 = arith.constant 0 : i32
    %dma_start3A_80 = tpu.memref_slice %arg7[%dma_start3A_76, %dma_start3A_78, %dma_start3A_79] : memref<5x40x128xf32, #tpu.memory_space<vmem>> -> memref<1x40x128xf32, #tpu.memory_space<vmem>>
    %dma_start3A_81 = tpu.memref_squeeze %dma_start3A_80 : memref<1x40x128xf32, #tpu.memory_space<vmem>> -> memref<40x128xf32, #tpu.memory_space<vmem>>
    %dma_start3A_82 = arith.constant 0 : i32
    %dma_start3A_83 = tpu.memref_slice %arg2[%add3A_75, %dma_start3A_82] : memref<320000x128xf32, #tpu.memory_space<hbm>> -> memref<40x128xf32, #tpu.memory_space<hbm>>
    %dma_start3A_84 = tpu.memref_slice %arg9[%dma_start3A_77] : memref<5x!tpu.dma_semaphore, #tpu.memory_space<semaphore_mem>> -> memref<1x!tpu.dma_semaphore, #tpu.memory_space<semaphore_mem>>
    %dma_start3A_85 = tpu.memref_squeeze %dma_start3A_84 : memref<1x!tpu.dma_semaphore, #tpu.memory_space<semaphore_mem>> -> memref<!tpu.dma_semaphore, #tpu.memory_space<semaphore_mem>>
    %dma_start3A_86 = arith.constant 0 : i32
    %dma_start3A_87 = arith.constant 0 : i32
    %dma_start3A_88 = tpu.memref_slice %arg7[%dma_start3A_76, %dma_start3A_86, %dma_start3A_87] : memref<5x40x128xf32, #tpu.memory_space<vmem>> -> memref<1x40x128xf32, #tpu.memory_space<vmem>>
    %dma_start3A_89 = tpu.memref_squeeze %dma_start3A_88 : memref<1x40x128xf32, #tpu.memory_space<vmem>> -> memref<40x128xf32, #tpu.memory_space<vmem>>
    %dma_start3A_90 = arith.constant 0 : i32
    %dma_start3A_91 = tpu.memref_slice %arg2[%add3A_75, %dma_start3A_90] : memref<320000x128xf32, #tpu.memory_space<hbm>> -> memref<40x128xf32, #tpu.memory_space<hbm>>
    tpu.enqueue_dma source(%dma_start3A_91 : memref<40x128xf32, #tpu.memory_space<hbm>>) target(%dma_start3A_89 : memref<40x128xf32, #tpu.memory_space<vmem>>) target_semaphore(%dma_start3A_85 : memref<!tpu.dma_semaphore, #tpu.memory_space<semaphore_mem>>)
    "tpu.region"() ({
      %run_scoped3A = tpu.sem_alloc : memref<!tpu.dma_semaphore, #tpu.memory_space<semaphore_mem>>
      %dma_start3A_171 = arith.constant 0 : i32
      %dma_start3A_172 = arith.constant 0 : i32
      %dma_start3A_173 = tpu.memref_slice %arg3[%add3A, %dma_start3A_171, %dma_start3A_172] : memref<32x250x40xi32, #tpu.memory_space<hbm>> -> memref<1x250x40xi32, #tpu.memory_space<hbm>>
      %dma_start3A_174 = tpu.memref_squeeze %dma_start3A_173 : memref<1x250x40xi32, #tpu.memory_space<hbm>> -> memref<250x40xi32, #tpu.memory_space<hbm>>
      %dma_start3A_175 = arith.constant 0 : i32
      %dma_start3A_176 = arith.constant 0 : i32
      %dma_start3A_177 = tpu.memref_slice %arg3[%add3A, %dma_start3A_175, %dma_start3A_176] : memref<32x250x40xi32, #tpu.memory_space<hbm>> -> memref<1x250x40xi32, #tpu.memory_space<hbm>>
      %dma_start3A_178 = tpu.memref_squeeze %dma_start3A_177 : memref<1x250x40xi32, #tpu.memory_space<hbm>> -> memref<250x40xi32, #tpu.memory_space<hbm>>
      tpu.enqueue_dma source(%dma_start3A_178 : memref<250x40xi32, #tpu.memory_space<hbm>>) target(%arg6 : memref<250x40xi32, #tpu.memory_space<vmem>>) target_semaphore(%run_scoped3A : memref<!tpu.dma_semaphore, #tpu.memory_space<semaphore_mem>>)
      %dma_wait3A_179 = arith.constant 0 : i32
      %dma_wait3A_180 = arith.constant 0 : i32
      %dma_wait3A_181 = tpu.memref_slice %arg3[%add3A, %dma_wait3A_179, %dma_wait3A_180] : memref<32x250x40xi32, #tpu.memory_space<hbm>> -> memref<1x250x40xi32, #tpu.memory_space<hbm>>
      %dma_wait3A_182 = tpu.memref_squeeze %dma_wait3A_181 : memref<1x250x40xi32, #tpu.memory_space<hbm>> -> memref<250x40xi32, #tpu.memory_space<hbm>>
      %dma_wait3A_183 = arith.constant 0 : i32
      %dma_wait3A_184 = arith.constant 0 : i32
      %dma_wait3A_185 = tpu.memref_slice %arg3[%add3A, %dma_wait3A_183, %dma_wait3A_184] : memref<32x250x40xi32, #tpu.memory_space<hbm>> -> memref<1x250x40xi32, #tpu.memory_space<hbm>>
      %dma_wait3A_186 = tpu.memref_squeeze %dma_wait3A_185 : memref<1x250x40xi32, #tpu.memory_space<hbm>> -> memref<250x40xi32, #tpu.memory_space<hbm>>
      tpu.wait_dma2 semaphore(%run_scoped3A : memref<!tpu.dma_semaphore, #tpu.memory_space<semaphore_mem>>) src(%dma_wait3A_186 : memref<250x40xi32, #tpu.memory_space<hbm>>) dst(%arg6 : memref<250x40xi32, #tpu.memory_space<vmem>>)
      tpu.yield
    }) : () -> ()
    %broadcast_in_dim3A = arith.constant 0.000000e+00 : f32
    %broadcast_in_dim3A_92 = vector.broadcast %broadcast_in_dim3A : f32 to vector<16xf32>
    %scan3A = arith.constant 0 : i32
    %scan3A_93 = arith.constant 0 : i32
    %scan3A_94 = arith.constant 25 : i32
    %scan3A_95 = arith.addi %scan3A_93, %scan3A_94 : i32
    %scan3A_96 = arith.constant 1 : i32
    scf.for %scan3A_171 = %scan3A_93 to %scan3A_95 step %scan3A_96  : i32 {
      %swap3A = arith.index_cast %scan3A_171 : i32 to index
      %swap3A_172 = arith.constant 0 : index
      %swap3A_173 = tpu.vector_load %arg8[%swap3A, %swap3A_172] {strides = array<i32>} : memref<25x128xf32, #tpu.memory_space<vmem>>, vector<1x16xf32>,
      %swap3A_174 = vector.shape_cast %swap3A_173 : vector<1x16xf32> to vector<16xf32>
      %swap3A_175 = vector.shape_cast %broadcast_in_dim3A_92 : vector<16xf32> to vector<1x16xf32>
      tpu.vector_store %arg8[%swap3A, %swap3A_172], %swap3A_175 {strides = array<i32>} : memref<25x128xf32, #tpu.memory_space<vmem>>, vector<1x16xf32>,
      %swap3A_176 = arith.index_cast %scan3A_171 : i32 to index
      %swap3A_177 = arith.constant 16 : index
      %swap3A_178 = tpu.vector_load %arg8[%swap3A_176, %swap3A_177] {strides = array<i32>} : memref<25x128xf32, #tpu.memory_space<vmem>>, vector<1x16xf32>,
      %swap3A_179 = vector.shape_cast %swap3A_178 : vector<1x16xf32> to vector<16xf32>
      %swap3A_180 = vector.shape_cast %broadcast_in_dim3A_92 : vector<16xf32> to vector<1x16xf32>
      tpu.vector_store %arg8[%swap3A_176, %swap3A_177], %swap3A_180 {strides = array<i32>} : memref<25x128xf32, #tpu.memory_space<vmem>>, vector<1x16xf32>,
      %swap3A_181 = arith.index_cast %scan3A_171 : i32 to index
      %swap3A_182 = arith.constant 32 : index
      %swap3A_183 = tpu.vector_load %arg8[%swap3A_181, %swap3A_182] {strides = array<i32>} : memref<25x128xf32, #tpu.memory_space<vmem>>, vector<1x16xf32>,
      %swap3A_184 = vector.shape_cast %swap3A_183 : vector<1x16xf32> to vector<16xf32>
      %swap3A_185 = vector.shape_cast %broadcast_in_dim3A_92 : vector<16xf32> to vector<1x16xf32>
      tpu.vector_store %arg8[%swap3A_181, %swap3A_182], %swap3A_185 {strides = array<i32>} : memref<25x128xf32, #tpu.memory_space<vmem>>, vector<1x16xf32>,
      %swap3A_186 = arith.index_cast %scan3A_171 : i32 to index
      %swap3A_187 = arith.constant 48 : index
      %swap3A_188 = tpu.vector_load %arg8[%swap3A_186, %swap3A_187] {strides = array<i32>} : memref<25x128xf32, #tpu.memory_space<vmem>>, vector<1x16xf32>,
      %swap3A_189 = vector.shape_cast %swap3A_188 : vector<1x16xf32> to vector<16xf32>
      %swap3A_190 = vector.shape_cast %broadcast_in_dim3A_92 : vector<16xf32> to vector<1x16xf32>
      tpu.vector_store %arg8[%swap3A_186, %swap3A_187], %swap3A_190 {strides = array<i32>} : memref<25x128xf32, #tpu.memory_space<vmem>>, vector<1x16xf32>,
      %swap3A_191 = arith.index_cast %scan3A_171 : i32 to index
      %swap3A_192 = arith.constant 64 : index
      %swap3A_193 = tpu.vector_load %arg8[%swap3A_191, %swap3A_192] {strides = array<i32>} : memref<25x128xf32, #tpu.memory_space<vmem>>, vector<1x16xf32>,
      %swap3A_194 = vector.shape_cast %swap3A_193 : vector<1x16xf32> to vector<16xf32>
      %swap3A_195 = vector.shape_cast %broadcast_in_dim3A_92 : vector<16xf32> to vector<1x16xf32>
      tpu.vector_store %arg8[%swap3A_191, %swap3A_192], %swap3A_195 {strides = array<i32>} : memref<25x128xf32, #tpu.memory_space<vmem>>, vector<1x16xf32>,
      %swap3A_196 = arith.index_cast %scan3A_171 : i32 to index
      %swap3A_197 = arith.constant 80 : index
      %swap3A_198 = tpu.vector_load %arg8[%swap3A_196, %swap3A_197] {strides = array<i32>} : memref<25x128xf32, #tpu.memory_space<vmem>>, vector<1x16xf32>,
      %swap3A_199 = vector.shape_cast %swap3A_198 : vector<1x16xf32> to vector<16xf32>
      %swap3A_200 = vector.shape_cast %broadcast_in_dim3A_92 : vector<16xf32> to vector<1x16xf32>
      tpu.vector_store %arg8[%swap3A_196, %swap3A_197], %swap3A_200 {strides = array<i32>} : memref<25x128xf32, #tpu.memory_space<vmem>>, vector<1x16xf32>,
      %swap3A_201 = arith.index_cast %scan3A_171 : i32 to index
      %swap3A_202 = arith.constant 96 : index
      %swap3A_203 = tpu.vector_load %arg8[%swap3A_201, %swap3A_202] {strides = array<i32>} : memref<25x128xf32, #tpu.memory_space<vmem>>, vector<1x16xf32>,
      %swap3A_204 = vector.shape_cast %swap3A_203 : vector<1x16xf32> to vector<16xf32>
      %swap3A_205 = vector.shape_cast %broadcast_in_dim3A_92 : vector<16xf32> to vector<1x16xf32>
      tpu.vector_store %arg8[%swap3A_201, %swap3A_202], %swap3A_205 {strides = array<i32>} : memref<25x128xf32, #tpu.memory_space<vmem>>, vector<1x16xf32>,
      %swap3A_206 = arith.index_cast %scan3A_171 : i32 to index
      %swap3A_207 = arith.constant 112 : index
      %swap3A_208 = tpu.vector_load %arg8[%swap3A_206, %swap3A_207] {strides = array<i32>} : memref<25x128xf32, #tpu.memory_space<vmem>>, vector<1x16xf32>,
      %swap3A_209 = vector.shape_cast %swap3A_208 : vector<1x16xf32> to vector<16xf32>
      %swap3A_210 = vector.shape_cast %broadcast_in_dim3A_92 : vector<16xf32> to vector<1x16xf32>
      tpu.vector_store %arg8[%swap3A_206, %swap3A_207], %swap3A_210 {strides = array<i32>} : memref<25x128xf32, #tpu.memory_space<vmem>>, vector<1x16xf32>,
    }
    %scan3A_97 = arith.constant 25 : i32
    %mul3A_98 = arith.constant 625 : i32
    %mul3A_99 = arith.muli %arg1, %mul3A_98 : i32
    %add3A_100 = arith.constant 0 : i32
    %add3A_101 = arith.addi %mul3A_99, %add3A_100 : i32
    "tpu.region"() ({
      %run_scoped3A = tpu.sem_alloc : memref<!tpu.dma_semaphore, #tpu.memory_space<semaphore_mem>>
      %dma_start3A_171 = arith.constant 0 : i32
      %dma_start3A_172 = tpu.memref_slice %arg5[%add3A_101, %dma_start3A_171] : memref<10000x128xf32, #tpu.memory_space<vmem_shared>> -> memref<25x128xf32, #tpu.memory_space<vmem_shared>>
      %dma_start3A_173 = arith.constant 0 : i32
      %dma_start3A_174 = tpu.memref_slice %arg5[%add3A_101, %dma_start3A_173] : memref<10000x128xf32, #tpu.memory_space<vmem_shared>> -> memref<25x128xf32, #tpu.memory_space<vmem_shared>>
      tpu.enqueue_dma source(%arg8 : memref<25x128xf32, #tpu.memory_space<vmem>>) target(%dma_start3A_174 : memref<25x128xf32, #tpu.memory_space<vmem_shared>>) target_semaphore(%run_scoped3A : memref<!tpu.dma_semaphore, #tpu.memory_space<semaphore_mem>>)
      %dma_wait3A_175 = arith.constant 0 : i32
      %dma_wait3A_176 = tpu.memref_slice %arg5[%add3A_101, %dma_wait3A_175] : memref<10000x128xf32, #tpu.memory_space<vmem_shared>> -> memref<25x128xf32, #tpu.memory_space<vmem_shared>>
      %dma_wait3A_177 = arith.constant 0 : i32
      %dma_wait3A_178 = tpu.memref_slice %arg5[%add3A_101, %dma_wait3A_177] : memref<10000x128xf32, #tpu.memory_space<vmem_shared>> -> memref<25x128xf32, #tpu.memory_space<vmem_shared>>
      tpu.wait_dma2 semaphore(%run_scoped3A : memref<!tpu.dma_semaphore, #tpu.memory_space<semaphore_mem>>) src(%arg8 : memref<25x128xf32, #tpu.memory_space<vmem>>) dst(%dma_wait3A_178 : memref<25x128xf32, #tpu.memory_space<vmem_shared>>)
      tpu.yield
    }) : () -> ()
    %add3A_102 = arith.constant 25 : i32
    %add3A_103 = arith.addi %mul3A_99, %add3A_102 : i32
    "tpu.region"() ({
      %run_scoped3A = tpu.sem_alloc : memref<!tpu.dma_semaphore, #tpu.memory_space<semaphore_mem>>
      %dma_start3A_171 = arith.constant 0 : i32
      %dma_start3A_172 = tpu.memref_slice %arg5[%add3A_103, %dma_start3A_171] : memref<10000x128xf32, #tpu.memory_space<vmem_shared>> -> memref<25x128xf32, #tpu.memory_space<vmem_shared>>
      %dma_start3A_173 = arith.constant 0 : i32
      %dma_start3A_174 = tpu.memref_slice %arg5[%add3A_103, %dma_start3A_173] : memref<10000x128xf32, #tpu.memory_space<vmem_shared>> -> memref<25x128xf32, #tpu.memory_space<vmem_shared>>
      tpu.enqueue_dma source(%arg8 : memref<25x128xf32, #tpu.memory_space<vmem>>) target(%dma_start3A_174 : memref<25x128xf32, #tpu.memory_space<vmem_shared>>) target_semaphore(%run_scoped3A : memref<!tpu.dma_semaphore, #tpu.memory_space<semaphore_mem>>)
      %dma_wait3A_175 = arith.constant 0 : i32
      %dma_wait3A_176 = tpu.memref_slice %arg5[%add3A_103, %dma_wait3A_175] : memref<10000x128xf32, #tpu.memory_space<vmem_shared>> -> memref<25x128xf32, #tpu.memory_space<vmem_shared>>
      %dma_wait3A_177 = arith.constant 0 : i32
      %dma_wait3A_178 = tpu.memref_slice %arg5[%add3A_103, %dma_wait3A_177] : memref<10000x128xf32, #tpu.memory_space<vmem_shared>> -> memref<25x128xf32, #tpu.memory_space<vmem_shared>>
      tpu.wait_dma2 semaphore(%run_scoped3A : memref<!tpu.dma_semaphore, #tpu.memory_space<semaphore_mem>>) src(%arg8 : memref<25x128xf32, #tpu.memory_space<vmem>>) dst(%dma_wait3A_178 : memref<25x128xf32, #tpu.memory_space<vmem_shared>>)
      tpu.yield
    }) : () -> ()
    %add3A_104 = arith.constant 50 : i32
    %add3A_105 = arith.addi %mul3A_99, %add3A_104 : i32
    "tpu.region"() ({
      %run_scoped3A = tpu.sem_alloc : memref<!tpu.dma_semaphore, #tpu.memory_space<semaphore_mem>>
      %dma_start3A_171 = arith.constant 0 : i32
      %dma_start3A_172 = tpu.memref_slice %arg5[%add3A_105, %dma_start3A_171] : memref<10000x128xf32, #tpu.memory_space<vmem_shared>> -> memref<25x128xf32, #tpu.memory_space<vmem_shared>>
      %dma_start3A_173 = arith.constant 0 : i32
      %dma_start3A_174 = tpu.memref_slice %arg5[%add3A_105, %dma_start3A_173] : memref<10000x128xf32, #tpu.memory_space<vmem_shared>> -> memref<25x128xf32, #tpu.memory_space<vmem_shared>>
      tpu.enqueue_dma source(%arg8 : memref<25x128xf32, #tpu.memory_space<vmem>>) target(%dma_start3A_174 : memref<25x128xf32, #tpu.memory_space<vmem_shared>>) target_semaphore(%run_scoped3A : memref<!tpu.dma_semaphore, #tpu.memory_space<semaphore_mem>>)
      %dma_wait3A_175 = arith.constant 0 : i32
      %dma_wait3A_176 = tpu.memref_slice %arg5[%add3A_105, %dma_wait3A_175] : memref<10000x128xf32, #tpu.memory_space<vmem_shared>> -> memref<25x128xf32, #tpu.memory_space<vmem_shared>>
      %dma_wait3A_177 = arith.constant 0 : i32
      %dma_wait3A_178 = tpu.memref_slice %arg5[%add3A_105, %dma_wait3A_177] : memref<10000x128xf32, #tpu.memory_space<vmem_shared>> -> memref<25x128xf32, #tpu.memory_space<vmem_shared>>
      tpu.wait_dma2 semaphore(%run_scoped3A : memref<!tpu.dma_semaphore, #tpu.memory_space<semaphore_mem>>) src(%arg8 : memref<25x128xf32, #tpu.memory_space<vmem>>) dst(%dma_wait3A_178 : memref<25x128xf32, #tpu.memory_space<vmem_shared>>)
      tpu.yield
    }) : () -> ()
    %add3A_106 = arith.constant 75 : i32
    %add3A_107 = arith.addi %mul3A_99, %add3A_106 : i32
    "tpu.region"() ({
      %run_scoped3A = tpu.sem_alloc : memref<!tpu.dma_semaphore, #tpu.memory_space<semaphore_mem>>
      %dma_start3A_171 = arith.constant 0 : i32
      %dma_start3A_172 = tpu.memref_slice %arg5[%add3A_107, %dma_start3A_171] : memref<10000x128xf32, #tpu.memory_space<vmem_shared>> -> memref<25x128xf32, #tpu.memory_space<vmem_shared>>
      %dma_start3A_173 = arith.constant 0 : i32
      %dma_start3A_174 = tpu.memref_slice %arg5[%add3A_107, %dma_start3A_173] : memref<10000x128xf32, #tpu.memory_space<vmem_shared>> -> memref<25x128xf32, #tpu.memory_space<vmem_shared>>
      tpu.enqueue_dma source(%arg8 : memref<25x128xf32, #tpu.memory_space<vmem>>) target(%dma_start3A_174 : memref<25x128xf32, #tpu.memory_space<vmem_shared>>) target_semaphore(%run_scoped3A : memref<!tpu.dma_semaphore, #tpu.memory_space<semaphore_mem>>)
      %dma_wait3A_175 = arith.constant 0 : i32
      %dma_wait3A_176 = tpu.memref_slice %arg5[%add3A_107, %dma_wait3A_175] : memref<10000x128xf32, #tpu.memory_space<vmem_shared>> -> memref<25x128xf32, #tpu.memory_space<vmem_shared>>
      %dma_wait3A_177 = arith.constant 0 : i32
      %dma_wait3A_178 = tpu.memref_slice %arg5[%add3A_107, %dma_wait3A_177] : memref<10000x128xf32, #tpu.memory_space<vmem_shared>> -> memref<25x128xf32, #tpu.memory_space<vmem_shared>>
      tpu.wait_dma2 semaphore(%run_scoped3A : memref<!tpu.dma_semaphore, #tpu.memory_space<semaphore_mem>>) src(%arg8 : memref<25x128xf32, #tpu.memory_space<vmem>>) dst(%dma_wait3A_178 : memref<25x128xf32, #tpu.memory_space<vmem_shared>>)
      tpu.yield
    }) : () -> ()
    %add3A_108 = arith.constant 100 : i32
    %add3A_109 = arith.addi %mul3A_99, %add3A_108 : i32
    "tpu.region"() ({
      %run_scoped3A = tpu.sem_alloc : memref<!tpu.dma_semaphore, #tpu.memory_space<semaphore_mem>>
      %dma_start3A_171 = arith.constant 0 : i32
      %dma_start3A_172 = tpu.memref_slice %arg5[%add3A_109, %dma_start3A_171] : memref<10000x128xf32, #tpu.memory_space<vmem_shared>> -> memref<25x128xf32, #tpu.memory_space<vmem_shared>>
      %dma_start3A_173 = arith.constant 0 : i32
      %dma_start3A_174 = tpu.memref_slice %arg5[%add3A_109, %dma_start3A_173] : memref<10000x128xf32, #tpu.memory_space<vmem_shared>> -> memref<25x128xf32, #tpu.memory_space<vmem_shared>>
      tpu.enqueue_dma source(%arg8 : memref<25x128xf32, #tpu.memory_space<vmem>>) target(%dma_start3A_174 : memref<25x128xf32, #tpu.memory_space<vmem_shared>>) target_semaphore(%run_scoped3A : memref<!tpu.dma_semaphore, #tpu.memory_space<semaphore_mem>>)
      %dma_wait3A_175 = arith.constant 0 : i32
      %dma_wait3A_176 = tpu.memref_slice %arg5[%add3A_109, %dma_wait3A_175] : memref<10000x128xf32, #tpu.memory_space<vmem_shared>> -> memref<25x128xf32, #tpu.memory_space<vmem_shared>>
      %dma_wait3A_177 = arith.constant 0 : i32
      %dma_wait3A_178 = tpu.memref_slice %arg5[%add3A_109, %dma_wait3A_177] : memref<10000x128xf32, #tpu.memory_space<vmem_shared>> -> memref<25x128xf32, #tpu.memory_space<vmem_shared>>
      tpu.wait_dma2 semaphore(%run_scoped3A : memref<!tpu.dma_semaphore, #tpu.memory_space<semaphore_mem>>) src(%arg8 : memref<25x128xf32, #tpu.memory_space<vmem>>) dst(%dma_wait3A_178 : memref<25x128xf32, #tpu.memory_space<vmem_shared>>)
      tpu.yield
    }) : () -> ()
    %add3A_110 = arith.constant 125 : i32
    %add3A_111 = arith.addi %mul3A_99, %add3A_110 : i32
    "tpu.region"() ({
      %run_scoped3A = tpu.sem_alloc : memref<!tpu.dma_semaphore, #tpu.memory_space<semaphore_mem>>
      %dma_start3A_171 = arith.constant 0 : i32
      %dma_start3A_172 = tpu.memref_slice %arg5[%add3A_111, %dma_start3A_171] : memref<10000x128xf32, #tpu.memory_space<vmem_shared>> -> memref<25x128xf32, #tpu.memory_space<vmem_shared>>
      %dma_start3A_173 = arith.constant 0 : i32
      %dma_start3A_174 = tpu.memref_slice %arg5[%add3A_111, %dma_start3A_173] : memref<10000x128xf32, #tpu.memory_space<vmem_shared>> -> memref<25x128xf32, #tpu.memory_space<vmem_shared>>
      tpu.enqueue_dma source(%arg8 : memref<25x128xf32, #tpu.memory_space<vmem>>) target(%dma_start3A_174 : memref<25x128xf32, #tpu.memory_space<vmem_shared>>) target_semaphore(%run_scoped3A : memref<!tpu.dma_semaphore, #tpu.memory_space<semaphore_mem>>)
      %dma_wait3A_175 = arith.constant 0 : i32
      %dma_wait3A_176 = tpu.memref_slice %arg5[%add3A_111, %dma_wait3A_175] : memref<10000x128xf32, #tpu.memory_space<vmem_shared>> -> memref<25x128xf32, #tpu.memory_space<vmem_shared>>
      %dma_wait3A_177 = arith.constant 0 : i32
      %dma_wait3A_178 = tpu.memref_slice %arg5[%add3A_111, %dma_wait3A_177] : memref<10000x128xf32, #tpu.memory_space<vmem_shared>> -> memref<25x128xf32, #tpu.memory_space<vmem_shared>>
      tpu.wait_dma2 semaphore(%run_scoped3A : memref<!tpu.dma_semaphore, #tpu.memory_space<semaphore_mem>>) src(%arg8 : memref<25x128xf32, #tpu.memory_space<vmem>>) dst(%dma_wait3A_178 : memref<25x128xf32, #tpu.memory_space<vmem_shared>>)
      tpu.yield
    }) : () -> ()
    %add3A_112 = arith.constant 150 : i32
    %add3A_113 = arith.addi %mul3A_99, %add3A_112 : i32
    "tpu.region"() ({
      %run_scoped3A = tpu.sem_alloc : memref<!tpu.dma_semaphore, #tpu.memory_space<semaphore_mem>>
      %dma_start3A_171 = arith.constant 0 : i32
      %dma_start3A_172 = tpu.memref_slice %arg5[%add3A_113, %dma_start3A_171] : memref<10000x128xf32, #tpu.memory_space<vmem_shared>> -> memref<25x128xf32, #tpu.memory_space<vmem_shared>>
      %dma_start3A_173 = arith.constant 0 : i32
      %dma_start3A_174 = tpu.memref_slice %arg5[%add3A_113, %dma_start3A_173] : memref<10000x128xf32, #tpu.memory_space<vmem_shared>> -> memref<25x128xf32, #tpu.memory_space<vmem_shared>>
      tpu.enqueue_dma source(%arg8 : memref<25x128xf32, #tpu.memory_space<vmem>>) target(%dma_start3A_174 : memref<25x128xf32, #tpu.memory_space<vmem_shared>>) target_semaphore(%run_scoped3A : memref<!tpu.dma_semaphore, #tpu.memory_space<semaphore_mem>>)
      %dma_wait3A_175 = arith.constant 0 : i32
      %dma_wait3A_176 = tpu.memref_slice %arg5[%add3A_113, %dma_wait3A_175] : memref<10000x128xf32, #tpu.memory_space<vmem_shared>> -> memref<25x128xf32, #tpu.memory_space<vmem_shared>>
      %dma_wait3A_177 = arith.constant 0 : i32
      %dma_wait3A_178 = tpu.memref_slice %arg5[%add3A_113, %dma_wait3A_177] : memref<10000x128xf32, #tpu.memory_space<vmem_shared>> -> memref<25x128xf32, #tpu.memory_space<vmem_shared>>
      tpu.wait_dma2 semaphore(%run_scoped3A : memref<!tpu.dma_semaphore, #tpu.memory_space<semaphore_mem>>) src(%arg8 : memref<25x128xf32, #tpu.memory_space<vmem>>) dst(%dma_wait3A_178 : memref<25x128xf32, #tpu.memory_space<vmem_shared>>)
      tpu.yield
    }) : () -> ()
    %add3A_114 = arith.constant 175 : i32
    %add3A_115 = arith.addi %mul3A_99, %add3A_114 : i32
    "tpu.region"() ({
      %run_scoped3A = tpu.sem_alloc : memref<!tpu.dma_semaphore, #tpu.memory_space<semaphore_mem>>
      %dma_start3A_171 = arith.constant 0 : i32
      %dma_start3A_172 = tpu.memref_slice %arg5[%add3A_115, %dma_start3A_171] : memref<10000x128xf32, #tpu.memory_space<vmem_shared>> -> memref<25x128xf32, #tpu.memory_space<vmem_shared>>
      %dma_start3A_173 = arith.constant 0 : i32
      %dma_start3A_174 = tpu.memref_slice %arg5[%add3A_115, %dma_start3A_173] : memref<10000x128xf32, #tpu.memory_space<vmem_shared>> -> memref<25x128xf32, #tpu.memory_space<vmem_shared>>
      tpu.enqueue_dma source(%arg8 : memref<25x128xf32, #tpu.memory_space<vmem>>) target(%dma_start3A_174 : memref<25x128xf32, #tpu.memory_space<vmem_shared>>) target_semaphore(%run_scoped3A : memref<!tpu.dma_semaphore, #tpu.memory_space<semaphore_mem>>)
      %dma_wait3A_175 = arith.constant 0 : i32
      %dma_wait3A_176 = tpu.memref_slice %arg5[%add3A_115, %dma_wait3A_175] : memref<10000x128xf32, #tpu.memory_space<vmem_shared>> -> memref<25x128xf32, #tpu.memory_space<vmem_shared>>
      %dma_wait3A_177 = arith.constant 0 : i32
      %dma_wait3A_178 = tpu.memref_slice %arg5[%add3A_115, %dma_wait3A_177] : memref<10000x128xf32, #tpu.memory_space<vmem_shared>> -> memref<25x128xf32, #tpu.memory_space<vmem_shared>>
      tpu.wait_dma2 semaphore(%run_scoped3A : memref<!tpu.dma_semaphore, #tpu.memory_space<semaphore_mem>>) src(%arg8 : memref<25x128xf32, #tpu.memory_space<vmem>>) dst(%dma_wait3A_178 : memref<25x128xf32, #tpu.memory_space<vmem_shared>>)
      tpu.yield
    }) : () -> ()
    %add3A_116 = arith.constant 200 : i32
    %add3A_117 = arith.addi %mul3A_99, %add3A_116 : i32
    "tpu.region"() ({
      %run_scoped3A = tpu.sem_alloc : memref<!tpu.dma_semaphore, #tpu.memory_space<semaphore_mem>>
      %dma_start3A_171 = arith.constant 0 : i32
      %dma_start3A_172 = tpu.memref_slice %arg5[%add3A_117, %dma_start3A_171] : memref<10000x128xf32, #tpu.memory_space<vmem_shared>> -> memref<25x128xf32, #tpu.memory_space<vmem_shared>>
      %dma_start3A_173 = arith.constant 0 : i32
      %dma_start3A_174 = tpu.memref_slice %arg5[%add3A_117, %dma_start3A_173] : memref<10000x128xf32, #tpu.memory_space<vmem_shared>> -> memref<25x128xf32, #tpu.memory_space<vmem_shared>>
      tpu.enqueue_dma source(%arg8 : memref<25x128xf32, #tpu.memory_space<vmem>>) target(%dma_start3A_174 : memref<25x128xf32, #tpu.memory_space<vmem_shared>>) target_semaphore(%run_scoped3A : memref<!tpu.dma_semaphore, #tpu.memory_space<semaphore_mem>>)
      %dma_wait3A_175 = arith.constant 0 : i32
      %dma_wait3A_176 = tpu.memref_slice %arg5[%add3A_117, %dma_wait3A_175] : memref<10000x128xf32, #tpu.memory_space<vmem_shared>> -> memref<25x128xf32, #tpu.memory_space<vmem_shared>>
      %dma_wait3A_177 = arith.constant 0 : i32
      %dma_wait3A_178 = tpu.memref_slice %arg5[%add3A_117, %dma_wait3A_177] : memref<10000x128xf32, #tpu.memory_space<vmem_shared>> -> memref<25x128xf32, #tpu.memory_space<vmem_shared>>
      tpu.wait_dma2 semaphore(%run_scoped3A : memref<!tpu.dma_semaphore, #tpu.memory_space<semaphore_mem>>) src(%arg8 : memref<25x128xf32, #tpu.memory_space<vmem>>) dst(%dma_wait3A_178 : memref<25x128xf32, #tpu.memory_space<vmem_shared>>)
      tpu.yield
    }) : () -> ()
    %add3A_118 = arith.constant 225 : i32
    %add3A_119 = arith.addi %mul3A_99, %add3A_118 : i32
    "tpu.region"() ({
      %run_scoped3A = tpu.sem_alloc : memref<!tpu.dma_semaphore, #tpu.memory_space<semaphore_mem>>
      %dma_start3A_171 = arith.constant 0 : i32
      %dma_start3A_172 = tpu.memref_slice %arg5[%add3A_119, %dma_start3A_171] : memref<10000x128xf32, #tpu.memory_space<vmem_shared>> -> memref<25x128xf32, #tpu.memory_space<vmem_shared>>
      %dma_start3A_173 = arith.constant 0 : i32
      %dma_start3A_174 = tpu.memref_slice %arg5[%add3A_119, %dma_start3A_173] : memref<10000x128xf32, #tpu.memory_space<vmem_shared>> -> memref<25x128xf32, #tpu.memory_space<vmem_shared>>
      tpu.enqueue_dma source(%arg8 : memref<25x128xf32, #tpu.memory_space<vmem>>) target(%dma_start3A_174 : memref<25x128xf32, #tpu.memory_space<vmem_shared>>) target_semaphore(%run_scoped3A : memref<!tpu.dma_semaphore, #tpu.memory_space<semaphore_mem>>)
      %dma_wait3A_175 = arith.constant 0 : i32
      %dma_wait3A_176 = tpu.memref_slice %arg5[%add3A_119, %dma_wait3A_175] : memref<10000x128xf32, #tpu.memory_space<vmem_shared>> -> memref<25x128xf32, #tpu.memory_space<vmem_shared>>
      %dma_wait3A_177 = arith.constant 0 : i32
      %dma_wait3A_178 = tpu.memref_slice %arg5[%add3A_119, %dma_wait3A_177] : memref<10000x128xf32, #tpu.memory_space<vmem_shared>> -> memref<25x128xf32, #tpu.memory_space<vmem_shared>>
      tpu.wait_dma2 semaphore(%run_scoped3A : memref<!tpu.dma_semaphore, #tpu.memory_space<semaphore_mem>>) src(%arg8 : memref<25x128xf32, #tpu.memory_space<vmem>>) dst(%dma_wait3A_178 : memref<25x128xf32, #tpu.memory_space<vmem_shared>>)
      tpu.yield
    }) : () -> ()
    %add3A_120 = arith.constant 250 : i32
    %add3A_121 = arith.addi %mul3A_99, %add3A_120 : i32
    "tpu.region"() ({
      %run_scoped3A = tpu.sem_alloc : memref<!tpu.dma_semaphore, #tpu.memory_space<semaphore_mem>>
      %dma_start3A_171 = arith.constant 0 : i32
      %dma_start3A_172 = tpu.memref_slice %arg5[%add3A_121, %dma_start3A_171] : memref<10000x128xf32, #tpu.memory_space<vmem_shared>> -> memref<25x128xf32, #tpu.memory_space<vmem_shared>>
      %dma_start3A_173 = arith.constant 0 : i32
      %dma_start3A_174 = tpu.memref_slice %arg5[%add3A_121, %dma_start3A_173] : memref<10000x128xf32, #tpu.memory_space<vmem_shared>> -> memref<25x128xf32, #tpu.memory_space<vmem_shared>>
      tpu.enqueue_dma source(%arg8 : memref<25x128xf32, #tpu.memory_space<vmem>>) target(%dma_start3A_174 : memref<25x128xf32, #tpu.memory_space<vmem_shared>>) target_semaphore(%run_scoped3A : memref<!tpu.dma_semaphore, #tpu.memory_space<semaphore_mem>>)
      %dma_wait3A_175 = arith.constant 0 : i32
      %dma_wait3A_176 = tpu.memref_slice %arg5[%add3A_121, %dma_wait3A_175] : memref<10000x128xf32, #tpu.memory_space<vmem_shared>> -> memref<25x128xf32, #tpu.memory_space<vmem_shared>>
      %dma_wait3A_177 = arith.constant 0 : i32
      %dma_wait3A_178 = tpu.memref_slice %arg5[%add3A_121, %dma_wait3A_177] : memref<10000x128xf32, #tpu.memory_space<vmem_shared>> -> memref<25x128xf32, #tpu.memory_space<vmem_shared>>
      tpu.wait_dma2 semaphore(%run_scoped3A : memref<!tpu.dma_semaphore, #tpu.memory_space<semaphore_mem>>) src(%arg8 : memref<25x128xf32, #tpu.memory_space<vmem>>) dst(%dma_wait3A_178 : memref<25x128xf32, #tpu.memory_space<vmem_shared>>)
      tpu.yield
    }) : () -> ()
    %add3A_122 = arith.constant 275 : i32
    %add3A_123 = arith.addi %mul3A_99, %add3A_122 : i32
    "tpu.region"() ({
      %run_scoped3A = tpu.sem_alloc : memref<!tpu.dma_semaphore, #tpu.memory_space<semaphore_mem>>
      %dma_start3A_171 = arith.constant 0 : i32
      %dma_start3A_172 = tpu.memref_slice %arg5[%add3A_123, %dma_start3A_171] : memref<10000x128xf32, #tpu.memory_space<vmem_shared>> -> memref<25x128xf32, #tpu.memory_space<vmem_shared>>
      %dma_start3A_173 = arith.constant 0 : i32
      %dma_start3A_174 = tpu.memref_slice %arg5[%add3A_123, %dma_start3A_173] : memref<10000x128xf32, #tpu.memory_space<vmem_shared>> -> memref<25x128xf32, #tpu.memory_space<vmem_shared>>
      tpu.enqueue_dma source(%arg8 : memref<25x128xf32, #tpu.memory_space<vmem>>) target(%dma_start3A_174 : memref<25x128xf32, #tpu.memory_space<vmem_shared>>) target_semaphore(%run_scoped3A : memref<!tpu.dma_semaphore, #tpu.memory_space<semaphore_mem>>)
      %dma_wait3A_175 = arith.constant 0 : i32
      %dma_wait3A_176 = tpu.memref_slice %arg5[%add3A_123, %dma_wait3A_175] : memref<10000x128xf32, #tpu.memory_space<vmem_shared>> -> memref<25x128xf32, #tpu.memory_space<vmem_shared>>
      %dma_wait3A_177 = arith.constant 0 : i32
      %dma_wait3A_178 = tpu.memref_slice %arg5[%add3A_123, %dma_wait3A_177] : memref<10000x128xf32, #tpu.memory_space<vmem_shared>> -> memref<25x128xf32, #tpu.memory_space<vmem_shared>>
      tpu.wait_dma2 semaphore(%run_scoped3A : memref<!tpu.dma_semaphore, #tpu.memory_space<semaphore_mem>>) src(%arg8 : memref<25x128xf32, #tpu.memory_space<vmem>>) dst(%dma_wait3A_178 : memref<25x128xf32, #tpu.memory_space<vmem_shared>>)
      tpu.yield
    }) : () -> ()
    %add3A_124 = arith.constant 300 : i32
    %add3A_125 = arith.addi %mul3A_99, %add3A_124 : i32
    "tpu.region"() ({
      %run_scoped3A = tpu.sem_alloc : memref<!tpu.dma_semaphore, #tpu.memory_space<semaphore_mem>>
      %dma_start3A_171 = arith.constant 0 : i32
      %dma_start3A_172 = tpu.memref_slice %arg5[%add3A_125, %dma_start3A_171] : memref<10000x128xf32, #tpu.memory_space<vmem_shared>> -> memref<25x128xf32, #tpu.memory_space<vmem_shared>>
      %dma_start3A_173 = arith.constant 0 : i32
      %dma_start3A_174 = tpu.memref_slice %arg5[%add3A_125, %dma_start3A_173] : memref<10000x128xf32, #tpu.memory_space<vmem_shared>> -> memref<25x128xf32, #tpu.memory_space<vmem_shared>>
      tpu.enqueue_dma source(%arg8 : memref<25x128xf32, #tpu.memory_space<vmem>>) target(%dma_start3A_174 : memref<25x128xf32, #tpu.memory_space<vmem_shared>>) target_semaphore(%run_scoped3A : memref<!tpu.dma_semaphore, #tpu.memory_space<semaphore_mem>>)
      %dma_wait3A_175 = arith.constant 0 : i32
      %dma_wait3A_176 = tpu.memref_slice %arg5[%add3A_125, %dma_wait3A_175] : memref<10000x128xf32, #tpu.memory_space<vmem_shared>> -> memref<25x128xf32, #tpu.memory_space<vmem_shared>>
      %dma_wait3A_177 = arith.constant 0 : i32
      %dma_wait3A_178 = tpu.memref_slice %arg5[%add3A_125, %dma_wait3A_177] : memref<10000x128xf32, #tpu.memory_space<vmem_shared>> -> memref<25x128xf32, #tpu.memory_space<vmem_shared>>
      tpu.wait_dma2 semaphore(%run_scoped3A : memref<!tpu.dma_semaphore, #tpu.memory_space<semaphore_mem>>) src(%arg8 : memref<25x128xf32, #tpu.memory_space<vmem>>) dst(%dma_wait3A_178 : memref<25x128xf32, #tpu.memory_space<vmem_shared>>)
      tpu.yield
    }) : () -> ()
    %add3A_126 = arith.constant 325 : i32
    %add3A_127 = arith.addi %mul3A_99, %add3A_126 : i32
    "tpu.region"() ({
      %run_scoped3A = tpu.sem_alloc : memref<!tpu.dma_semaphore, #tpu.memory_space<semaphore_mem>>
      %dma_start3A_171 = arith.constant 0 : i32
      %dma_start3A_172 = tpu.memref_slice %arg5[%add3A_127, %dma_start3A_171] : memref<10000x128xf32, #tpu.memory_space<vmem_shared>> -> memref<25x128xf32, #tpu.memory_space<vmem_shared>>
      %dma_start3A_173 = arith.constant 0 : i32
      %dma_start3A_174 = tpu.memref_slice %arg5[%add3A_127, %dma_start3A_173] : memref<10000x128xf32, #tpu.memory_space<vmem_shared>> -> memref<25x128xf32, #tpu.memory_space<vmem_shared>>
      tpu.enqueue_dma source(%arg8 : memref<25x128xf32, #tpu.memory_space<vmem>>) target(%dma_start3A_174 : memref<25x128xf32, #tpu.memory_space<vmem_shared>>) target_semaphore(%run_scoped3A : memref<!tpu.dma_semaphore, #tpu.memory_space<semaphore_mem>>)
      %dma_wait3A_175 = arith.constant 0 : i32
      %dma_wait3A_176 = tpu.memref_slice %arg5[%add3A_127, %dma_wait3A_175] : memref<10000x128xf32, #tpu.memory_space<vmem_shared>> -> memref<25x128xf32, #tpu.memory_space<vmem_shared>>
      %dma_wait3A_177 = arith.constant 0 : i32
      %dma_wait3A_178 = tpu.memref_slice %arg5[%add3A_127, %dma_wait3A_177] : memref<10000x128xf32, #tpu.memory_space<vmem_shared>> -> memref<25x128xf32, #tpu.memory_space<vmem_shared>>
      tpu.wait_dma2 semaphore(%run_scoped3A : memref<!tpu.dma_semaphore, #tpu.memory_space<semaphore_mem>>) src(%arg8 : memref<25x128xf32, #tpu.memory_space<vmem>>) dst(%dma_wait3A_178 : memref<25x128xf32, #tpu.memory_space<vmem_shared>>)
      tpu.yield
    }) : () -> ()
    %add3A_128 = arith.constant 350 : i32
    %add3A_129 = arith.addi %mul3A_99, %add3A_128 : i32
    "tpu.region"() ({
      %run_scoped3A = tpu.sem_alloc : memref<!tpu.dma_semaphore, #tpu.memory_space<semaphore_mem>>
      %dma_start3A_171 = arith.constant 0 : i32
      %dma_start3A_172 = tpu.memref_slice %arg5[%add3A_129, %dma_start3A_171] : memref<10000x128xf32, #tpu.memory_space<vmem_shared>> -> memref<25x128xf32, #tpu.memory_space<vmem_shared>>
      %dma_start3A_173 = arith.constant 0 : i32
      %dma_start3A_174 = tpu.memref_slice %arg5[%add3A_129, %dma_start3A_173] : memref<10000x128xf32, #tpu.memory_space<vmem_shared>> -> memref<25x128xf32, #tpu.memory_space<vmem_shared>>
      tpu.enqueue_dma source(%arg8 : memref<25x128xf32, #tpu.memory_space<vmem>>) target(%dma_start3A_174 : memref<25x128xf32, #tpu.memory_space<vmem_shared>>) target_semaphore(%run_scoped3A : memref<!tpu.dma_semaphore, #tpu.memory_space<semaphore_mem>>)
      %dma_wait3A_175 = arith.constant 0 : i32
      %dma_wait3A_176 = tpu.memref_slice %arg5[%add3A_129, %dma_wait3A_175] : memref<10000x128xf32, #tpu.memory_space<vmem_shared>> -> memref<25x128xf32, #tpu.memory_space<vmem_shared>>
      %dma_wait3A_177 = arith.constant 0 : i32
      %dma_wait3A_178 = tpu.memref_slice %arg5[%add3A_129, %dma_wait3A_177] : memref<10000x128xf32, #tpu.memory_space<vmem_shared>> -> memref<25x128xf32, #tpu.memory_space<vmem_shared>>
      tpu.wait_dma2 semaphore(%run_scoped3A : memref<!tpu.dma_semaphore, #tpu.memory_space<semaphore_mem>>) src(%arg8 : memref<25x128xf32, #tpu.memory_space<vmem>>) dst(%dma_wait3A_178 : memref<25x128xf32, #tpu.memory_space<vmem_shared>>)
      tpu.yield
    }) : () -> ()
    %add3A_130 = arith.constant 375 : i32
    %add3A_131 = arith.addi %mul3A_99, %add3A_130 : i32
    "tpu.region"() ({
      %run_scoped3A = tpu.sem_alloc : memref<!tpu.dma_semaphore, #tpu.memory_space<semaphore_mem>>
      %dma_start3A_171 = arith.constant 0 : i32
      %dma_start3A_172 = tpu.memref_slice %arg5[%add3A_131, %dma_start3A_171] : memref<10000x128xf32, #tpu.memory_space<vmem_shared>> -> memref<25x128xf32, #tpu.memory_space<vmem_shared>>
      %dma_start3A_173 = arith.constant 0 : i32
      %dma_start3A_174 = tpu.memref_slice %arg5[%add3A_131, %dma_start3A_173] : memref<10000x128xf32, #tpu.memory_space<vmem_shared>> -> memref<25x128xf32, #tpu.memory_space<vmem_shared>>
      tpu.enqueue_dma source(%arg8 : memref<25x128xf32, #tpu.memory_space<vmem>>) target(%dma_start3A_174 : memref<25x128xf32, #tpu.memory_space<vmem_shared>>) target_semaphore(%run_scoped3A : memref<!tpu.dma_semaphore, #tpu.memory_space<semaphore_mem>>)
      %dma_wait3A_175 = arith.constant 0 : i32
      %dma_wait3A_176 = tpu.memref_slice %arg5[%add3A_131, %dma_wait3A_175] : memref<10000x128xf32, #tpu.memory_space<vmem_shared>> -> memref<25x128xf32, #tpu.memory_space<vmem_shared>>
      %dma_wait3A_177 = arith.constant 0 : i32
      %dma_wait3A_178 = tpu.memref_slice %arg5[%add3A_131, %dma_wait3A_177] : memref<10000x128xf32, #tpu.memory_space<vmem_shared>> -> memref<25x128xf32, #tpu.memory_space<vmem_shared>>
      tpu.wait_dma2 semaphore(%run_scoped3A : memref<!tpu.dma_semaphore, #tpu.memory_space<semaphore_mem>>) src(%arg8 : memref<25x128xf32, #tpu.memory_space<vmem>>) dst(%dma_wait3A_178 : memref<25x128xf32, #tpu.memory_space<vmem_shared>>)
      tpu.yield
    }) : () -> ()
    %add3A_132 = arith.constant 400 : i32
    %add3A_133 = arith.addi %mul3A_99, %add3A_132 : i32
    "tpu.region"() ({
      %run_scoped3A = tpu.sem_alloc : memref<!tpu.dma_semaphore, #tpu.memory_space<semaphore_mem>>
      %dma_start3A_171 = arith.constant 0 : i32
      %dma_start3A_172 = tpu.memref_slice %arg5[%add3A_133, %dma_start3A_171] : memref<10000x128xf32, #tpu.memory_space<vmem_shared>> -> memref<25x128xf32, #tpu.memory_space<vmem_shared>>
      %dma_start3A_173 = arith.constant 0 : i32
      %dma_start3A_174 = tpu.memref_slice %arg5[%add3A_133, %dma_start3A_173] : memref<10000x128xf32, #tpu.memory_space<vmem_shared>> -> memref<25x128xf32, #tpu.memory_space<vmem_shared>>
      tpu.enqueue_dma source(%arg8 : memref<25x128xf32, #tpu.memory_space<vmem>>) target(%dma_start3A_174 : memref<25x128xf32, #tpu.memory_space<vmem_shared>>) target_semaphore(%run_scoped3A : memref<!tpu.dma_semaphore, #tpu.memory_space<semaphore_mem>>)
      %dma_wait3A_175 = arith.constant 0 : i32
      %dma_wait3A_176 = tpu.memref_slice %arg5[%add3A_133, %dma_wait3A_175] : memref<10000x128xf32, #tpu.memory_space<vmem_shared>> -> memref<25x128xf32, #tpu.memory_space<vmem_shared>>
      %dma_wait3A_177 = arith.constant 0 : i32
      %dma_wait3A_178 = tpu.memref_slice %arg5[%add3A_133, %dma_wait3A_177] : memref<10000x128xf32, #tpu.memory_space<vmem_shared>> -> memref<25x128xf32, #tpu.memory_space<vmem_shared>>
      tpu.wait_dma2 semaphore(%run_scoped3A : memref<!tpu.dma_semaphore, #tpu.memory_space<semaphore_mem>>) src(%arg8 : memref<25x128xf32, #tpu.memory_space<vmem>>) dst(%dma_wait3A_178 : memref<25x128xf32, #tpu.memory_space<vmem_shared>>)
      tpu.yield
    }) : () -> ()
    %add3A_134 = arith.constant 425 : i32
    %add3A_135 = arith.addi %mul3A_99, %add3A_134 : i32
    "tpu.region"() ({
      %run_scoped3A = tpu.sem_alloc : memref<!tpu.dma_semaphore, #tpu.memory_space<semaphore_mem>>
      %dma_start3A_171 = arith.constant 0 : i32
      %dma_start3A_172 = tpu.memref_slice %arg5[%add3A_135, %dma_start3A_171] : memref<10000x128xf32, #tpu.memory_space<vmem_shared>> -> memref<25x128xf32, #tpu.memory_space<vmem_shared>>
      %dma_start3A_173 = arith.constant 0 : i32
      %dma_start3A_174 = tpu.memref_slice %arg5[%add3A_135, %dma_start3A_173] : memref<10000x128xf32, #tpu.memory_space<vmem_shared>> -> memref<25x128xf32, #tpu.memory_space<vmem_shared>>
      tpu.enqueue_dma source(%arg8 : memref<25x128xf32, #tpu.memory_space<vmem>>) target(%dma_start3A_174 : memref<25x128xf32, #tpu.memory_space<vmem_shared>>) target_semaphore(%run_scoped3A : memref<!tpu.dma_semaphore, #tpu.memory_space<semaphore_mem>>)
      %dma_wait3A_175 = arith.constant 0 : i32
      %dma_wait3A_176 = tpu.memref_slice %arg5[%add3A_135, %dma_wait3A_175] : memref<10000x128xf32, #tpu.memory_space<vmem_shared>> -> memref<25x128xf32, #tpu.memory_space<vmem_shared>>
      %dma_wait3A_177 = arith.constant 0 : i32
      %dma_wait3A_178 = tpu.memref_slice %arg5[%add3A_135, %dma_wait3A_177] : memref<10000x128xf32, #tpu.memory_space<vmem_shared>> -> memref<25x128xf32, #tpu.memory_space<vmem_shared>>
      tpu.wait_dma2 semaphore(%run_scoped3A : memref<!tpu.dma_semaphore, #tpu.memory_space<semaphore_mem>>) src(%arg8 : memref<25x128xf32, #tpu.memory_space<vmem>>) dst(%dma_wait3A_178 : memref<25x128xf32, #tpu.memory_space<vmem_shared>>)
      tpu.yield
    }) : () -> ()
    %add3A_136 = arith.constant 450 : i32
    %add3A_137 = arith.addi %mul3A_99, %add3A_136 : i32
    "tpu.region"() ({
      %run_scoped3A = tpu.sem_alloc : memref<!tpu.dma_semaphore, #tpu.memory_space<semaphore_mem>>
      %dma_start3A_171 = arith.constant 0 : i32
      %dma_start3A_172 = tpu.memref_slice %arg5[%add3A_137, %dma_start3A_171] : memref<10000x128xf32, #tpu.memory_space<vmem_shared>> -> memref<25x128xf32, #tpu.memory_space<vmem_shared>>
      %dma_start3A_173 = arith.constant 0 : i32
      %dma_start3A_174 = tpu.memref_slice %arg5[%add3A_137, %dma_start3A_173] : memref<10000x128xf32, #tpu.memory_space<vmem_shared>> -> memref<25x128xf32, #tpu.memory_space<vmem_shared>>
      tpu.enqueue_dma source(%arg8 : memref<25x128xf32, #tpu.memory_space<vmem>>) target(%dma_start3A_174 : memref<25x128xf32, #tpu.memory_space<vmem_shared>>) target_semaphore(%run_scoped3A : memref<!tpu.dma_semaphore, #tpu.memory_space<semaphore_mem>>)
      %dma_wait3A_175 = arith.constant 0 : i32
      %dma_wait3A_176 = tpu.memref_slice %arg5[%add3A_137, %dma_wait3A_175] : memref<10000x128xf32, #tpu.memory_space<vmem_shared>> -> memref<25x128xf32, #tpu.memory_space<vmem_shared>>
      %dma_wait3A_177 = arith.constant 0 : i32
      %dma_wait3A_178 = tpu.memref_slice %arg5[%add3A_137, %dma_wait3A_177] : memref<10000x128xf32, #tpu.memory_space<vmem_shared>> -> memref<25x128xf32, #tpu.memory_space<vmem_shared>>
      tpu.wait_dma2 semaphore(%run_scoped3A : memref<!tpu.dma_semaphore, #tpu.memory_space<semaphore_mem>>) src(%arg8 : memref<25x128xf32, #tpu.memory_space<vmem>>) dst(%dma_wait3A_178 : memref<25x128xf32, #tpu.memory_space<vmem_shared>>)
      tpu.yield
    }) : () -> ()
    %add3A_138 = arith.constant 475 : i32
    %add3A_139 = arith.addi %mul3A_99, %add3A_138 : i32
    "tpu.region"() ({
      %run_scoped3A = tpu.sem_alloc : memref<!tpu.dma_semaphore, #tpu.memory_space<semaphore_mem>>
      %dma_start3A_171 = arith.constant 0 : i32
      %dma_start3A_172 = tpu.memref_slice %arg5[%add3A_139, %dma_start3A_171] : memref<10000x128xf32, #tpu.memory_space<vmem_shared>> -> memref<25x128xf32, #tpu.memory_space<vmem_shared>>
      %dma_start3A_173 = arith.constant 0 : i32
      %dma_start3A_174 = tpu.memref_slice %arg5[%add3A_139, %dma_start3A_173] : memref<10000x128xf32, #tpu.memory_space<vmem_shared>> -> memref<25x128xf32, #tpu.memory_space<vmem_shared>>
      tpu.enqueue_dma source(%arg8 : memref<25x128xf32, #tpu.memory_space<vmem>>) target(%dma_start3A_174 : memref<25x128xf32, #tpu.memory_space<vmem_shared>>) target_semaphore(%run_scoped3A : memref<!tpu.dma_semaphore, #tpu.memory_space<semaphore_mem>>)
      %dma_wait3A_175 = arith.constant 0 : i32
      %dma_wait3A_176 = tpu.memref_slice %arg5[%add3A_139, %dma_wait3A_175] : memref<10000x128xf32, #tpu.memory_space<vmem_shared>> -> memref<25x128xf32, #tpu.memory_space<vmem_shared>>
      %dma_wait3A_177 = arith.constant 0 : i32
      %dma_wait3A_178 = tpu.memref_slice %arg5[%add3A_139, %dma_wait3A_177] : memref<10000x128xf32, #tpu.memory_space<vmem_shared>> -> memref<25x128xf32, #tpu.memory_space<vmem_shared>>
      tpu.wait_dma2 semaphore(%run_scoped3A : memref<!tpu.dma_semaphore, #tpu.memory_space<semaphore_mem>>) src(%arg8 : memref<25x128xf32, #tpu.memory_space<vmem>>) dst(%dma_wait3A_178 : memref<25x128xf32, #tpu.memory_space<vmem_shared>>)
      tpu.yield
    }) : () -> ()
    %add3A_140 = arith.constant 500 : i32
    %add3A_141 = arith.addi %mul3A_99, %add3A_140 : i32
    "tpu.region"() ({
      %run_scoped3A = tpu.sem_alloc : memref<!tpu.dma_semaphore, #tpu.memory_space<semaphore_mem>>
      %dma_start3A_171 = arith.constant 0 : i32
      %dma_start3A_172 = tpu.memref_slice %arg5[%add3A_141, %dma_start3A_171] : memref<10000x128xf32, #tpu.memory_space<vmem_shared>> -> memref<25x128xf32, #tpu.memory_space<vmem_shared>>
      %dma_start3A_173 = arith.constant 0 : i32
      %dma_start3A_174 = tpu.memref_slice %arg5[%add3A_141, %dma_start3A_173] : memref<10000x128xf32, #tpu.memory_space<vmem_shared>> -> memref<25x128xf32, #tpu.memory_space<vmem_shared>>
      tpu.enqueue_dma source(%arg8 : memref<25x128xf32, #tpu.memory_space<vmem>>) target(%dma_start3A_174 : memref<25x128xf32, #tpu.memory_space<vmem_shared>>) target_semaphore(%run_scoped3A : memref<!tpu.dma_semaphore, #tpu.memory_space<semaphore_mem>>)
      %dma_wait3A_175 = arith.constant 0 : i32
      %dma_wait3A_176 = tpu.memref_slice %arg5[%add3A_141, %dma_wait3A_175] : memref<10000x128xf32, #tpu.memory_space<vmem_shared>> -> memref<25x128xf32, #tpu.memory_space<vmem_shared>>
      %dma_wait3A_177 = arith.constant 0 : i32
      %dma_wait3A_178 = tpu.memref_slice %arg5[%add3A_141, %dma_wait3A_177] : memref<10000x128xf32, #tpu.memory_space<vmem_shared>> -> memref<25x128xf32, #tpu.memory_space<vmem_shared>>
      tpu.wait_dma2 semaphore(%run_scoped3A : memref<!tpu.dma_semaphore, #tpu.memory_space<semaphore_mem>>) src(%arg8 : memref<25x128xf32, #tpu.memory_space<vmem>>) dst(%dma_wait3A_178 : memref<25x128xf32, #tpu.memory_space<vmem_shared>>)
      tpu.yield
    }) : () -> ()
    %add3A_142 = arith.constant 525 : i32
    %add3A_143 = arith.addi %mul3A_99, %add3A_142 : i32
    "tpu.region"() ({
      %run_scoped3A = tpu.sem_alloc : memref<!tpu.dma_semaphore, #tpu.memory_space<semaphore_mem>>
      %dma_start3A_171 = arith.constant 0 : i32
      %dma_start3A_172 = tpu.memref_slice %arg5[%add3A_143, %dma_start3A_171] : memref<10000x128xf32, #tpu.memory_space<vmem_shared>> -> memref<25x128xf32, #tpu.memory_space<vmem_shared>>
      %dma_start3A_173 = arith.constant 0 : i32
      %dma_start3A_174 = tpu.memref_slice %arg5[%add3A_143, %dma_start3A_173] : memref<10000x128xf32, #tpu.memory_space<vmem_shared>> -> memref<25x128xf32, #tpu.memory_space<vmem_shared>>
      tpu.enqueue_dma source(%arg8 : memref<25x128xf32, #tpu.memory_space<vmem>>) target(%dma_start3A_174 : memref<25x128xf32, #tpu.memory_space<vmem_shared>>) target_semaphore(%run_scoped3A : memref<!tpu.dma_semaphore, #tpu.memory_space<semaphore_mem>>)
      %dma_wait3A_175 = arith.constant 0 : i32
      %dma_wait3A_176 = tpu.memref_slice %arg5[%add3A_143, %dma_wait3A_175] : memref<10000x128xf32, #tpu.memory_space<vmem_shared>> -> memref<25x128xf32, #tpu.memory_space<vmem_shared>>
      %dma_wait3A_177 = arith.constant 0 : i32
      %dma_wait3A_178 = tpu.memref_slice %arg5[%add3A_143, %dma_wait3A_177] : memref<10000x128xf32, #tpu.memory_space<vmem_shared>> -> memref<25x128xf32, #tpu.memory_space<vmem_shared>>
      tpu.wait_dma2 semaphore(%run_scoped3A : memref<!tpu.dma_semaphore, #tpu.memory_space<semaphore_mem>>) src(%arg8 : memref<25x128xf32, #tpu.memory_space<vmem>>) dst(%dma_wait3A_178 : memref<25x128xf32, #tpu.memory_space<vmem_shared>>)
      tpu.yield
    }) : () -> ()
    %add3A_144 = arith.constant 550 : i32
    %add3A_145 = arith.addi %mul3A_99, %add3A_144 : i32
    "tpu.region"() ({
      %run_scoped3A = tpu.sem_alloc : memref<!tpu.dma_semaphore, #tpu.memory_space<semaphore_mem>>
      %dma_start3A_171 = arith.constant 0 : i32
      %dma_start3A_172 = tpu.memref_slice %arg5[%add3A_145, %dma_start3A_171] : memref<10000x128xf32, #tpu.memory_space<vmem_shared>> -> memref<25x128xf32, #tpu.memory_space<vmem_shared>>
      %dma_start3A_173 = arith.constant 0 : i32
      %dma_start3A_174 = tpu.memref_slice %arg5[%add3A_145, %dma_start3A_173] : memref<10000x128xf32, #tpu.memory_space<vmem_shared>> -> memref<25x128xf32, #tpu.memory_space<vmem_shared>>
      tpu.enqueue_dma source(%arg8 : memref<25x128xf32, #tpu.memory_space<vmem>>) target(%dma_start3A_174 : memref<25x128xf32, #tpu.memory_space<vmem_shared>>) target_semaphore(%run_scoped3A : memref<!tpu.dma_semaphore, #tpu.memory_space<semaphore_mem>>)
      %dma_wait3A_175 = arith.constant 0 : i32
      %dma_wait3A_176 = tpu.memref_slice %arg5[%add3A_145, %dma_wait3A_175] : memref<10000x128xf32, #tpu.memory_space<vmem_shared>> -> memref<25x128xf32, #tpu.memory_space<vmem_shared>>
      %dma_wait3A_177 = arith.constant 0 : i32
      %dma_wait3A_178 = tpu.memref_slice %arg5[%add3A_145, %dma_wait3A_177] : memref<10000x128xf32, #tpu.memory_space<vmem_shared>> -> memref<25x128xf32, #tpu.memory_space<vmem_shared>>
      tpu.wait_dma2 semaphore(%run_scoped3A : memref<!tpu.dma_semaphore, #tpu.memory_space<semaphore_mem>>) src(%arg8 : memref<25x128xf32, #tpu.memory_space<vmem>>) dst(%dma_wait3A_178 : memref<25x128xf32, #tpu.memory_space<vmem_shared>>)
      tpu.yield
    }) : () -> ()
    %add3A_146 = arith.constant 575 : i32
    %add3A_147 = arith.addi %mul3A_99, %add3A_146 : i32
    "tpu.region"() ({
      %run_scoped3A = tpu.sem_alloc : memref<!tpu.dma_semaphore, #tpu.memory_space<semaphore_mem>>
      %dma_start3A_171 = arith.constant 0 : i32
      %dma_start3A_172 = tpu.memref_slice %arg5[%add3A_147, %dma_start3A_171] : memref<10000x128xf32, #tpu.memory_space<vmem_shared>> -> memref<25x128xf32, #tpu.memory_space<vmem_shared>>
      %dma_start3A_173 = arith.constant 0 : i32
      %dma_start3A_174 = tpu.memref_slice %arg5[%add3A_147, %dma_start3A_173] : memref<10000x128xf32, #tpu.memory_space<vmem_shared>> -> memref<25x128xf32, #tpu.memory_space<vmem_shared>>
      tpu.enqueue_dma source(%arg8 : memref<25x128xf32, #tpu.memory_space<vmem>>) target(%dma_start3A_174 : memref<25x128xf32, #tpu.memory_space<vmem_shared>>) target_semaphore(%run_scoped3A : memref<!tpu.dma_semaphore, #tpu.memory_space<semaphore_mem>>)
      %dma_wait3A_175 = arith.constant 0 : i32
      %dma_wait3A_176 = tpu.memref_slice %arg5[%add3A_147, %dma_wait3A_175] : memref<10000x128xf32, #tpu.memory_space<vmem_shared>> -> memref<25x128xf32, #tpu.memory_space<vmem_shared>>
      %dma_wait3A_177 = arith.constant 0 : i32
      %dma_wait3A_178 = tpu.memref_slice %arg5[%add3A_147, %dma_wait3A_177] : memref<10000x128xf32, #tpu.memory_space<vmem_shared>> -> memref<25x128xf32, #tpu.memory_space<vmem_shared>>
      tpu.wait_dma2 semaphore(%run_scoped3A : memref<!tpu.dma_semaphore, #tpu.memory_space<semaphore_mem>>) src(%arg8 : memref<25x128xf32, #tpu.memory_space<vmem>>) dst(%dma_wait3A_178 : memref<25x128xf32, #tpu.memory_space<vmem_shared>>)
      tpu.yield
    }) : () -> ()
    %add3A_148 = arith.constant 600 : i32
    %add3A_149 = arith.addi %mul3A_99, %add3A_148 : i32
    "tpu.region"() ({
      %run_scoped3A = tpu.sem_alloc : memref<!tpu.dma_semaphore, #tpu.memory_space<semaphore_mem>>
      %dma_start3A_171 = arith.constant 0 : i32
      %dma_start3A_172 = tpu.memref_slice %arg5[%add3A_149, %dma_start3A_171] : memref<10000x128xf32, #tpu.memory_space<vmem_shared>> -> memref<25x128xf32, #tpu.memory_space<vmem_shared>>
      %dma_start3A_173 = arith.constant 0 : i32
      %dma_start3A_174 = tpu.memref_slice %arg5[%add3A_149, %dma_start3A_173] : memref<10000x128xf32, #tpu.memory_space<vmem_shared>> -> memref<25x128xf32, #tpu.memory_space<vmem_shared>>
      tpu.enqueue_dma source(%arg8 : memref<25x128xf32, #tpu.memory_space<vmem>>) target(%dma_start3A_174 : memref<25x128xf32, #tpu.memory_space<vmem_shared>>) target_semaphore(%run_scoped3A : memref<!tpu.dma_semaphore, #tpu.memory_space<semaphore_mem>>)
      %dma_wait3A_175 = arith.constant 0 : i32
      %dma_wait3A_176 = tpu.memref_slice %arg5[%add3A_149, %dma_wait3A_175] : memref<10000x128xf32, #tpu.memory_space<vmem_shared>> -> memref<25x128xf32, #tpu.memory_space<vmem_shared>>
      %dma_wait3A_177 = arith.constant 0 : i32
      %dma_wait3A_178 = tpu.memref_slice %arg5[%add3A_149, %dma_wait3A_177] : memref<10000x128xf32, #tpu.memory_space<vmem_shared>> -> memref<25x128xf32, #tpu.memory_space<vmem_shared>>
      tpu.wait_dma2 semaphore(%run_scoped3A : memref<!tpu.dma_semaphore, #tpu.memory_space<semaphore_mem>>) src(%arg8 : memref<25x128xf32, #tpu.memory_space<vmem>>) dst(%dma_wait3A_178 : memref<25x128xf32, #tpu.memory_space<vmem_shared>>)
      tpu.yield
    }) : () -> ()
    %barrier3A = arith.constant 0 : index
    tpu.barrier barrier_id(%barrier3A)
    %scan3A_150 = arith.constant 0 : i32
    %scan3A_151 = arith.constant 0 : i32
    %scan3A_152 = arith.constant 50 : i32
    %scan3A_153 = arith.addi %scan3A_151, %scan3A_152 : i32
    %scan3A_154 = arith.constant 1 : i32
    scf.for %scan3A_171 = %scan3A_151 to %scan3A_153 step %scan3A_154  : i32 {
      %mul3A_172 = arith.constant 5 : i32
      %mul3A_173 = arith.muli %scan3A_171, %mul3A_172 : i32
      %add3A_174 = arith.constant 0 : i32
      %add3A_175 = arith.addi %mul3A_173, %add3A_174 : i32
      %mul3A_176 = arith.constant 40 : i32
      %mul3A_177 = arith.muli %add3A_175, %mul3A_176 : i32
      %add3A_178 = arith.addi %mul3A_2, %mul3A_177 : i32
      %dma_wait3A_179 = arith.constant 0 : i32
      %dma_wait3A_180 = arith.constant 0 : i32
      %dma_wait3A_181 = arith.constant 0 : i32
      %dma_wait3A_182 = arith.constant 0 : i32
      %dma_wait3A_183 = tpu.memref_slice %arg7[%dma_wait3A_179, %dma_wait3A_181, %dma_wait3A_182] : memref<5x40x128xf32, #tpu.memory_space<vmem>> -> memref<1x40x128xf32, #tpu.memory_space<vmem>>
      %dma_wait3A_184 = tpu.memref_squeeze %dma_wait3A_183 : memref<1x40x128xf32, #tpu.memory_space<vmem>> -> memref<40x128xf32, #tpu.memory_space<vmem>>
      %dma_wait3A_185 = arith.constant 0 : i32
      %dma_wait3A_186 = tpu.memref_slice %arg2[%add3A_178, %dma_wait3A_185] : memref<320000x128xf32, #tpu.memory_space<hbm>> -> memref<40x128xf32, #tpu.memory_space<hbm>>
      %dma_wait3A_187 = tpu.memref_slice %arg9[%dma_wait3A_180] : memref<5x!tpu.dma_semaphore, #tpu.memory_space<semaphore_mem>> -> memref<1x!tpu.dma_semaphore, #tpu.memory_space<semaphore_mem>>
      %dma_wait3A_188 = tpu.memref_squeeze %dma_wait3A_187 : memref<1x!tpu.dma_semaphore, #tpu.memory_space<semaphore_mem>> -> memref<!tpu.dma_semaphore, #tpu.memory_space<semaphore_mem>>
      %dma_wait3A_189 = arith.constant 0 : i32
      %dma_wait3A_190 = arith.constant 0 : i32
      %dma_wait3A_191 = tpu.memref_slice %arg7[%dma_wait3A_179, %dma_wait3A_189, %dma_wait3A_190] : memref<5x40x128xf32, #tpu.memory_space<vmem>> -> memref<1x40x128xf32, #tpu.memory_space<vmem>>
      %dma_wait3A_192 = tpu.memref_squeeze %dma_wait3A_191 : memref<1x40x128xf32, #tpu.memory_space<vmem>> -> memref<40x128xf32, #tpu.memory_space<vmem>>
      %dma_wait3A_193 = arith.constant 0 : i32
      %dma_wait3A_194 = tpu.memref_slice %arg2[%add3A_178, %dma_wait3A_193] : memref<320000x128xf32, #tpu.memory_space<hbm>> -> memref<40x128xf32, #tpu.memory_space<hbm>>
      tpu.wait_dma2 semaphore(%dma_wait3A_188 : memref<!tpu.dma_semaphore, #tpu.memory_space<semaphore_mem>>) src(%dma_wait3A_194 : memref<40x128xf32, #tpu.memory_space<hbm>>) dst(%dma_wait3A_192 : memref<40x128xf32, #tpu.memory_space<vmem>>)
      %dma_start3A_195 = arith.constant 0 : i32
      %dma_start3A_196 = arith.constant 0 : i32
      %dma_start3A_197 = arith.constant 0 : i32
      %dma_start3A_198 = arith.constant 0 : i32
      %dma_start3A_199 = tpu.memref_slice %arg7[%dma_start3A_195, %dma_start3A_197, %dma_start3A_198] : memref<5x40x128xf32, #tpu.memory_space<vmem>> -> memref<1x40x128xf32, #tpu.memory_space<vmem>>
      %dma_start3A_200 = tpu.memref_squeeze %dma_start3A_199 : memref<1x40x128xf32, #tpu.memory_space<vmem>> -> memref<40x128xf32, #tpu.memory_space<vmem>>
      %dma_start3A_201 = arith.constant 0 : i32
      %dma_start3A_202 = tpu.memref_slice %arg6[%add3A_175, %dma_start3A_201] : memref<250x40xi32, #tpu.memory_space<vmem>> -> memref<1x40xi32, #tpu.memory_space<vmem>>
      %dma_start3A_203 = tpu.memref_squeeze %dma_start3A_202 : memref<1x40xi32, #tpu.memory_space<vmem>> -> memref<40xi32, #tpu.memory_space<vmem>>
      %dma_start3A_204 = arith.constant 0 : i32
      %dma_start3A_205 = arith.constant 0 : i32
      %dma_start3A_206 = tpu.memref_slice %arg5[%dma_start3A_204, %dma_start3A_205] : memref<10000x128xf32, #tpu.memory_space<vmem_shared>> -> memref<10000x128xf32, #tpu.memory_space<vmem_shared>>
      %dma_start3A_207 = tpu.memref_slice %arg10[%dma_start3A_196] : memref<5x!tpu.dma_semaphore, #tpu.memory_space<semaphore_mem>> -> memref<1x!tpu.dma_semaphore, #tpu.memory_space<semaphore_mem>>
      %dma_start3A_208 = tpu.memref_squeeze %dma_start3A_207 : memref<1x!tpu.dma_semaphore, #tpu.memory_space<semaphore_mem>> -> memref<!tpu.dma_semaphore, #tpu.memory_space<semaphore_mem>>
      tpu.enqueue_indirect_dma source(%dma_start3A_200 : memref<40x128xf32, #tpu.memory_space<vmem>>) target(%dma_start3A_206 : memref<10000x128xf32, #tpu.memory_space<vmem_shared>>) offsets(%dma_start3A_203 : memref<40xi32, #tpu.memory_space<vmem>>) semaphore(%dma_start3A_208 : memref<!tpu.dma_semaphore, #tpu.memory_space<semaphore_mem>>) {add = true}
      %sub3A = arith.constant 1 : i32
      %sub3A_209 = arith.subi %add3A_175, %sub3A : i32
      %gt3A = arith.constant 0 : i32
      %gt3A_210 = arith.cmpi sgt, %scan3A_171, %gt3A : i32
      %convert_element_type3A = arith.extui %gt3A_210 : i1 to i32
      %cond3A = arith.constant 0 : i32
      %cond3A_211 = arith.cmpi ne, %convert_element_type3A, %cond3A : i32
      scf.if %cond3A_211 {
        %dma_wait3A_451 = arith.constant 4 : i32
        %dma_wait3A_452 = arith.constant 4 : i32
        %dma_wait3A_453 = arith.constant 0 : i32
        %dma_wait3A_454 = arith.constant 0 : i32
        %dma_wait3A_455 = tpu.memref_slice %arg7[%dma_wait3A_451, %dma_wait3A_453, %dma_wait3A_454] : memref<5x40x128xf32, #tpu.memory_space<vmem>> -> memref<1x40x128xf32, #tpu.memory_space<vmem>>
        %dma_wait3A_456 = tpu.memref_squeeze %dma_wait3A_455 : memref<1x40x128xf32, #tpu.memory_space<vmem>> -> memref<40x128xf32, #tpu.memory_space<vmem>>
        %dma_wait3A_457 = arith.constant 0 : i32
        %dma_wait3A_458 = tpu.memref_slice %arg6[%sub3A_209, %dma_wait3A_457] : memref<250x40xi32, #tpu.memory_space<vmem>> -> memref<1x40xi32, #tpu.memory_space<vmem>>
        %dma_wait3A_459 = tpu.memref_squeeze %dma_wait3A_458 : memref<1x40xi32, #tpu.memory_space<vmem>> -> memref<40xi32, #tpu.memory_space<vmem>>
        %dma_wait3A_460 = arith.constant 0 : i32
        %dma_wait3A_461 = arith.constant 0 : i32
        %dma_wait3A_462 = tpu.memref_slice %arg5[%dma_wait3A_460, %dma_wait3A_461] : memref<10000x128xf32, #tpu.memory_space<vmem_shared>> -> memref<10000x128xf32, #tpu.memory_space<vmem_shared>>
        %dma_wait3A_463 = tpu.memref_slice %arg10[%dma_wait3A_452] : memref<5x!tpu.dma_semaphore, #tpu.memory_space<semaphore_mem>> -> memref<1x!tpu.dma_semaphore, #tpu.memory_space<semaphore_mem>>
        %dma_wait3A_464 = tpu.memref_squeeze %dma_wait3A_463 : memref<1x!tpu.dma_semaphore, #tpu.memory_space<semaphore_mem>> -> memref<!tpu.dma_semaphore, #tpu.memory_space<semaphore_mem>>
        tpu.wait_indirect_dma semaphore(%dma_wait3A_464 : memref<!tpu.dma_semaphore, #tpu.memory_space<semaphore_mem>>) src(%dma_wait3A_456 : memref<40x128xf32, #tpu.memory_space<vmem>>) dst(%dma_wait3A_462 : memref<10000x128xf32, #tpu.memory_space<vmem_shared>>)
        %add3A_465 = arith.constant 5 : i32
        %add3A_466 = arith.addi %sub3A_209, %add3A_465 : i32
        %lt3A_467 = arith.constant 250 : i32
        %lt3A_468 = arith.cmpi slt, %add3A_466, %lt3A_467 : i32
        %convert_element_type3A_469 = arith.extui %lt3A_468 : i1 to i32
        %cond3A_470 = arith.constant 0 : i32
        %cond3A_471 = arith.cmpi ne, %convert_element_type3A_469, %cond3A_470 : i32
        scf.if %cond3A_471 {
          %add3A_472 = arith.constant 5 : i32
          %add3A_473 = arith.addi %sub3A_209, %add3A_472 : i32
          %mul3A_474 = arith.constant 40 : i32
          %mul3A_475 = arith.muli %add3A_473, %mul3A_474 : i32
          %add3A_476 = arith.addi %mul3A_2, %mul3A_475 : i32
          %dma_start3A_477 = arith.constant 4 : i32
          %dma_start3A_478 = arith.constant 4 : i32
          %dma_start3A_479 = arith.constant 0 : i32
          %dma_start3A_480 = arith.constant 0 : i32
          %dma_start3A_481 = tpu.memref_slice %arg7[%dma_start3A_477, %dma_start3A_479, %dma_start3A_480] : memref<5x40x128xf32, #tpu.memory_space<vmem>> -> memref<1x40x128xf32, #tpu.memory_space<vmem>>
          %dma_start3A_482 = tpu.memref_squeeze %dma_start3A_481 : memref<1x40x128xf32, #tpu.memory_space<vmem>> -> memref<40x128xf32, #tpu.memory_space<vmem>>
          %dma_start3A_483 = arith.constant 0 : i32
          %dma_start3A_484 = tpu.memref_slice %arg2[%add3A_476, %dma_start3A_483] : memref<320000x128xf32, #tpu.memory_space<hbm>> -> memref<40x128xf32, #tpu.memory_space<hbm>>
          %dma_start3A_485 = tpu.memref_slice %arg9[%dma_start3A_478] : memref<5x!tpu.dma_semaphore, #tpu.memory_space<semaphore_mem>> -> memref<1x!tpu.dma_semaphore, #tpu.memory_space<semaphore_mem>>
          %dma_start3A_486 = tpu.memref_squeeze %dma_start3A_485 : memref<1x!tpu.dma_semaphore, #tpu.memory_space<semaphore_mem>> -> memref<!tpu.dma_semaphore, #tpu.memory_space<semaphore_mem>>
          %dma_start3A_487 = arith.constant 0 : i32
          %dma_start3A_488 = arith.constant 0 : i32
          %dma_start3A_489 = tpu.memref_slice %arg7[%dma_start3A_477, %dma_start3A_487, %dma_start3A_488] : memref<5x40x128xf32, #tpu.memory_space<vmem>> -> memref<1x40x128xf32, #tpu.memory_space<vmem>>
          %dma_start3A_490 = tpu.memref_squeeze %dma_start3A_489 : memref<1x40x128xf32, #tpu.memory_space<vmem>> -> memref<40x128xf32, #tpu.memory_space<vmem>>
          %dma_start3A_491 = arith.constant 0 : i32
          %dma_start3A_492 = tpu.memref_slice %arg2[%add3A_476, %dma_start3A_491] : memref<320000x128xf32, #tpu.memory_space<hbm>> -> memref<40x128xf32, #tpu.memory_space<hbm>>
          tpu.enqueue_dma source(%dma_start3A_492 : memref<40x128xf32, #tpu.memory_space<hbm>>) target(%dma_start3A_490 : memref<40x128xf32, #tpu.memory_space<vmem>>) target_semaphore(%dma_start3A_486 : memref<!tpu.dma_semaphore, #tpu.memory_space<semaphore_mem>>)
        } else {
        }
      } else {
      }
      %mul3A_212 = arith.constant 5 : i32
      %mul3A_213 = arith.muli %scan3A_171, %mul3A_212 : i32
      %add3A_214 = arith.constant 1 : i32
      %add3A_215 = arith.addi %mul3A_213, %add3A_214 : i32
      %mul3A_216 = arith.constant 40 : i32
      %mul3A_217 = arith.muli %add3A_215, %mul3A_216 : i32
      %add3A_218 = arith.addi %mul3A_2, %mul3A_217 : i32
      %dma_wait3A_219 = arith.constant 1 : i32
      %dma_wait3A_220 = arith.constant 1 : i32
      %dma_wait3A_221 = arith.constant 0 : i32
      %dma_wait3A_222 = arith.constant 0 : i32
      %dma_wait3A_223 = tpu.memref_slice %arg7[%dma_wait3A_219, %dma_wait3A_221, %dma_wait3A_222] : memref<5x40x128xf32, #tpu.memory_space<vmem>> -> memref<1x40x128xf32, #tpu.memory_space<vmem>>
      %dma_wait3A_224 = tpu.memref_squeeze %dma_wait3A_223 : memref<1x40x128xf32, #tpu.memory_space<vmem>> -> memref<40x128xf32, #tpu.memory_space<vmem>>
      %dma_wait3A_225 = arith.constant 0 : i32
      %dma_wait3A_226 = tpu.memref_slice %arg2[%add3A_218, %dma_wait3A_225] : memref<320000x128xf32, #tpu.memory_space<hbm>> -> memref<40x128xf32, #tpu.memory_space<hbm>>
      %dma_wait3A_227 = tpu.memref_slice %arg9[%dma_wait3A_220] : memref<5x!tpu.dma_semaphore, #tpu.memory_space<semaphore_mem>> -> memref<1x!tpu.dma_semaphore, #tpu.memory_space<semaphore_mem>>
      %dma_wait3A_228 = tpu.memref_squeeze %dma_wait3A_227 : memref<1x!tpu.dma_semaphore, #tpu.memory_space<semaphore_mem>> -> memref<!tpu.dma_semaphore, #tpu.memory_space<semaphore_mem>>
      %dma_wait3A_229 = arith.constant 0 : i32
      %dma_wait3A_230 = arith.constant 0 : i32
      %dma_wait3A_231 = tpu.memref_slice %arg7[%dma_wait3A_219, %dma_wait3A_229, %dma_wait3A_230] : memref<5x40x128xf32, #tpu.memory_space<vmem>> -> memref<1x40x128xf32, #tpu.memory_space<vmem>>
      %dma_wait3A_232 = tpu.memref_squeeze %dma_wait3A_231 : memref<1x40x128xf32, #tpu.memory_space<vmem>> -> memref<40x128xf32, #tpu.memory_space<vmem>>
      %dma_wait3A_233 = arith.constant 0 : i32
      %dma_wait3A_234 = tpu.memref_slice %arg2[%add3A_218, %dma_wait3A_233] : memref<320000x128xf32, #tpu.memory_space<hbm>> -> memref<40x128xf32, #tpu.memory_space<hbm>>
      tpu.wait_dma2 semaphore(%dma_wait3A_228 : memref<!tpu.dma_semaphore, #tpu.memory_space<semaphore_mem>>) src(%dma_wait3A_234 : memref<40x128xf32, #tpu.memory_space<hbm>>) dst(%dma_wait3A_232 : memref<40x128xf32, #tpu.memory_space<vmem>>)
      %dma_start3A_235 = arith.constant 1 : i32
      %dma_start3A_236 = arith.constant 1 : i32
      %dma_start3A_237 = arith.constant 0 : i32
      %dma_start3A_238 = arith.constant 0 : i32
      %dma_start3A_239 = tpu.memref_slice %arg7[%dma_start3A_235, %dma_start3A_237, %dma_start3A_238] : memref<5x40x128xf32, #tpu.memory_space<vmem>> -> memref<1x40x128xf32, #tpu.memory_space<vmem>>
      %dma_start3A_240 = tpu.memref_squeeze %dma_start3A_239 : memref<1x40x128xf32, #tpu.memory_space<vmem>> -> memref<40x128xf32, #tpu.memory_space<vmem>>
      %dma_start3A_241 = arith.constant 0 : i32
      %dma_start3A_242 = tpu.memref_slice %arg6[%add3A_215, %dma_start3A_241] : memref<250x40xi32, #tpu.memory_space<vmem>> -> memref<1x40xi32, #tpu.memory_space<vmem>>
      %dma_start3A_243 = tpu.memref_squeeze %dma_start3A_242 : memref<1x40xi32, #tpu.memory_space<vmem>> -> memref<40xi32, #tpu.memory_space<vmem>>
      %dma_start3A_244 = arith.constant 0 : i32
      %dma_start3A_245 = arith.constant 0 : i32
      %dma_start3A_246 = tpu.memref_slice %arg5[%dma_start3A_244, %dma_start3A_245] : memref<10000x128xf32, #tpu.memory_space<vmem_shared>> -> memref<10000x128xf32, #tpu.memory_space<vmem_shared>>
      %dma_start3A_247 = tpu.memref_slice %arg10[%dma_start3A_236] : memref<5x!tpu.dma_semaphore, #tpu.memory_space<semaphore_mem>> -> memref<1x!tpu.dma_semaphore, #tpu.memory_space<semaphore_mem>>
      %dma_start3A_248 = tpu.memref_squeeze %dma_start3A_247 : memref<1x!tpu.dma_semaphore, #tpu.memory_space<semaphore_mem>> -> memref<!tpu.dma_semaphore, #tpu.memory_space<semaphore_mem>>
      tpu.enqueue_indirect_dma source(%dma_start3A_240 : memref<40x128xf32, #tpu.memory_space<vmem>>) target(%dma_start3A_246 : memref<10000x128xf32, #tpu.memory_space<vmem_shared>>) offsets(%dma_start3A_243 : memref<40xi32, #tpu.memory_space<vmem>>) semaphore(%dma_start3A_248 : memref<!tpu.dma_semaphore, #tpu.memory_space<semaphore_mem>>) {add = true}
      %sub3A_249 = arith.constant 1 : i32
      %sub3A_250 = arith.subi %add3A_215, %sub3A_249 : i32
      %dma_wait3A_251 = arith.constant 0 : i32
      %dma_wait3A_252 = arith.constant 0 : i32
      %dma_wait3A_253 = arith.constant 0 : i32
      %dma_wait3A_254 = arith.constant 0 : i32
      %dma_wait3A_255 = tpu.memref_slice %arg7[%dma_wait3A_251, %dma_wait3A_253, %dma_wait3A_254] : memref<5x40x128xf32, #tpu.memory_space<vmem>> -> memref<1x40x128xf32, #tpu.memory_space<vmem>>
      %dma_wait3A_256 = tpu.memref_squeeze %dma_wait3A_255 : memref<1x40x128xf32, #tpu.memory_space<vmem>> -> memref<40x128xf32, #tpu.memory_space<vmem>>
      %dma_wait3A_257 = arith.constant 0 : i32
      %dma_wait3A_258 = tpu.memref_slice %arg6[%sub3A_250, %dma_wait3A_257] : memref<250x40xi32, #tpu.memory_space<vmem>> -> memref<1x40xi32, #tpu.memory_space<vmem>>
      %dma_wait3A_259 = tpu.memref_squeeze %dma_wait3A_258 : memref<1x40xi32, #tpu.memory_space<vmem>> -> memref<40xi32, #tpu.memory_space<vmem>>
      %dma_wait3A_260 = arith.constant 0 : i32
      %dma_wait3A_261 = arith.constant 0 : i32
      %dma_wait3A_262 = tpu.memref_slice %arg5[%dma_wait3A_260, %dma_wait3A_261] : memref<10000x128xf32, #tpu.memory_space<vmem_shared>> -> memref<10000x128xf32, #tpu.memory_space<vmem_shared>>
      %dma_wait3A_263 = tpu.memref_slice %arg10[%dma_wait3A_252] : memref<5x!tpu.dma_semaphore, #tpu.memory_space<semaphore_mem>> -> memref<1x!tpu.dma_semaphore, #tpu.memory_space<semaphore_mem>>
      %dma_wait3A_264 = tpu.memref_squeeze %dma_wait3A_263 : memref<1x!tpu.dma_semaphore, #tpu.memory_space<semaphore_mem>> -> memref<!tpu.dma_semaphore, #tpu.memory_space<semaphore_mem>>
      tpu.wait_indirect_dma semaphore(%dma_wait3A_264 : memref<!tpu.dma_semaphore, #tpu.memory_space<semaphore_mem>>) src(%dma_wait3A_256 : memref<40x128xf32, #tpu.memory_space<vmem>>) dst(%dma_wait3A_262 : memref<10000x128xf32, #tpu.memory_space<vmem_shared>>)
      %add3A_265 = arith.constant 5 : i32
      %add3A_266 = arith.addi %sub3A_250, %add3A_265 : i32
      %lt3A = arith.constant 250 : i32
      %lt3A_267 = arith.cmpi slt, %add3A_266, %lt3A : i32
      %convert_element_type3A_268 = arith.extui %lt3A_267 : i1 to i32
      %cond3A_269 = arith.constant 0 : i32
      %cond3A_270 = arith.cmpi ne, %convert_element_type3A_268, %cond3A_269 : i32
      scf.if %cond3A_270 {
        %add3A_451 = arith.constant 5 : i32
        %add3A_452 = arith.addi %sub3A_250, %add3A_451 : i32
        %mul3A_453 = arith.constant 40 : i32
        %mul3A_454 = arith.muli %add3A_452, %mul3A_453 : i32
        %add3A_455 = arith.addi %mul3A_2, %mul3A_454 : i32
        %dma_start3A_456 = arith.constant 0 : i32
        %dma_start3A_457 = arith.constant 0 : i32
        %dma_start3A_458 = arith.constant 0 : i32
        %dma_start3A_459 = arith.constant 0 : i32
        %dma_start3A_460 = tpu.memref_slice %arg7[%dma_start3A_456, %dma_start3A_458, %dma_start3A_459] : memref<5x40x128xf32, #tpu.memory_space<vmem>> -> memref<1x40x128xf32, #tpu.memory_space<vmem>>
        %dma_start3A_461 = tpu.memref_squeeze %dma_start3A_460 : memref<1x40x128xf32, #tpu.memory_space<vmem>> -> memref<40x128xf32, #tpu.memory_space<vmem>>
        %dma_start3A_462 = arith.constant 0 : i32
        %dma_start3A_463 = tpu.memref_slice %arg2[%add3A_455, %dma_start3A_462] : memref<320000x128xf32, #tpu.memory_space<hbm>> -> memref<40x128xf32, #tpu.memory_space<hbm>>
        %dma_start3A_464 = tpu.memref_slice %arg9[%dma_start3A_457] : memref<5x!tpu.dma_semaphore, #tpu.memory_space<semaphore_mem>> -> memref<1x!tpu.dma_semaphore, #tpu.memory_space<semaphore_mem>>
        %dma_start3A_465 = tpu.memref_squeeze %dma_start3A_464 : memref<1x!tpu.dma_semaphore, #tpu.memory_space<semaphore_mem>> -> memref<!tpu.dma_semaphore, #tpu.memory_space<semaphore_mem>>
        %dma_start3A_466 = arith.constant 0 : i32
        %dma_start3A_467 = arith.constant 0 : i32
        %dma_start3A_468 = tpu.memref_slice %arg7[%dma_start3A_456, %dma_start3A_466, %dma_start3A_467] : memref<5x40x128xf32, #tpu.memory_space<vmem>> -> memref<1x40x128xf32, #tpu.memory_space<vmem>>
        %dma_start3A_469 = tpu.memref_squeeze %dma_start3A_468 : memref<1x40x128xf32, #tpu.memory_space<vmem>> -> memref<40x128xf32, #tpu.memory_space<vmem>>
        %dma_start3A_470 = arith.constant 0 : i32
        %dma_start3A_471 = tpu.memref_slice %arg2[%add3A_455, %dma_start3A_470] : memref<320000x128xf32, #tpu.memory_space<hbm>> -> memref<40x128xf32, #tpu.memory_space<hbm>>
        tpu.enqueue_dma source(%dma_start3A_471 : memref<40x128xf32, #tpu.memory_space<hbm>>) target(%dma_start3A_469 : memref<40x128xf32, #tpu.memory_space<vmem>>) target_semaphore(%dma_start3A_465 : memref<!tpu.dma_semaphore, #tpu.memory_space<semaphore_mem>>)
      } else {
      }
      %mul3A_271 = arith.constant 5 : i32
      %mul3A_272 = arith.muli %scan3A_171, %mul3A_271 : i32
      %add3A_273 = arith.constant 2 : i32
      %add3A_274 = arith.addi %mul3A_272, %add3A_273 : i32
      %mul3A_275 = arith.constant 40 : i32
      %mul3A_276 = arith.muli %add3A_274, %mul3A_275 : i32
      %add3A_277 = arith.addi %mul3A_2, %mul3A_276 : i32
      %dma_wait3A_278 = arith.constant 2 : i32
      %dma_wait3A_279 = arith.constant 2 : i32
      %dma_wait3A_280 = arith.constant 0 : i32
      %dma_wait3A_281 = arith.constant 0 : i32
      %dma_wait3A_282 = tpu.memref_slice %arg7[%dma_wait3A_278, %dma_wait3A_280, %dma_wait3A_281] : memref<5x40x128xf32, #tpu.memory_space<vmem>> -> memref<1x40x128xf32, #tpu.memory_space<vmem>>
      %dma_wait3A_283 = tpu.memref_squeeze %dma_wait3A_282 : memref<1x40x128xf32, #tpu.memory_space<vmem>> -> memref<40x128xf32, #tpu.memory_space<vmem>>
      %dma_wait3A_284 = arith.constant 0 : i32
      %dma_wait3A_285 = tpu.memref_slice %arg2[%add3A_277, %dma_wait3A_284] : memref<320000x128xf32, #tpu.memory_space<hbm>> -> memref<40x128xf32, #tpu.memory_space<hbm>>
      %dma_wait3A_286 = tpu.memref_slice %arg9[%dma_wait3A_279] : memref<5x!tpu.dma_semaphore, #tpu.memory_space<semaphore_mem>> -> memref<1x!tpu.dma_semaphore, #tpu.memory_space<semaphore_mem>>
      %dma_wait3A_287 = tpu.memref_squeeze %dma_wait3A_286 : memref<1x!tpu.dma_semaphore, #tpu.memory_space<semaphore_mem>> -> memref<!tpu.dma_semaphore, #tpu.memory_space<semaphore_mem>>
      %dma_wait3A_288 = arith.constant 0 : i32
      %dma_wait3A_289 = arith.constant 0 : i32
      %dma_wait3A_290 = tpu.memref_slice %arg7[%dma_wait3A_278, %dma_wait3A_288, %dma_wait3A_289] : memref<5x40x128xf32, #tpu.memory_space<vmem>> -> memref<1x40x128xf32, #tpu.memory_space<vmem>>
      %dma_wait3A_291 = tpu.memref_squeeze %dma_wait3A_290 : memref<1x40x128xf32, #tpu.memory_space<vmem>> -> memref<40x128xf32, #tpu.memory_space<vmem>>
      %dma_wait3A_292 = arith.constant 0 : i32
      %dma_wait3A_293 = tpu.memref_slice %arg2[%add3A_277, %dma_wait3A_292] : memref<320000x128xf32, #tpu.memory_space<hbm>> -> memref<40x128xf32, #tpu.memory_space<hbm>>
      tpu.wait_dma2 semaphore(%dma_wait3A_287 : memref<!tpu.dma_semaphore, #tpu.memory_space<semaphore_mem>>) src(%dma_wait3A_293 : memref<40x128xf32, #tpu.memory_space<hbm>>) dst(%dma_wait3A_291 : memref<40x128xf32, #tpu.memory_space<vmem>>)
      %dma_start3A_294 = arith.constant 2 : i32
      %dma_start3A_295 = arith.constant 2 : i32
      %dma_start3A_296 = arith.constant 0 : i32
      %dma_start3A_297 = arith.constant 0 : i32
      %dma_start3A_298 = tpu.memref_slice %arg7[%dma_start3A_294, %dma_start3A_296, %dma_start3A_297] : memref<5x40x128xf32, #tpu.memory_space<vmem>> -> memref<1x40x128xf32, #tpu.memory_space<vmem>>
      %dma_start3A_299 = tpu.memref_squeeze %dma_start3A_298 : memref<1x40x128xf32, #tpu.memory_space<vmem>> -> memref<40x128xf32, #tpu.memory_space<vmem>>
      %dma_start3A_300 = arith.constant 0 : i32
      %dma_start3A_301 = tpu.memref_slice %arg6[%add3A_274, %dma_start3A_300] : memref<250x40xi32, #tpu.memory_space<vmem>> -> memref<1x40xi32, #tpu.memory_space<vmem>>
      %dma_start3A_302 = tpu.memref_squeeze %dma_start3A_301 : memref<1x40xi32, #tpu.memory_space<vmem>> -> memref<40xi32, #tpu.memory_space<vmem>>
      %dma_start3A_303 = arith.constant 0 : i32
      %dma_start3A_304 = arith.constant 0 : i32
      %dma_start3A_305 = tpu.memref_slice %arg5[%dma_start3A_303, %dma_start3A_304] : memref<10000x128xf32, #tpu.memory_space<vmem_shared>> -> memref<10000x128xf32, #tpu.memory_space<vmem_shared>>
      %dma_start3A_306 = tpu.memref_slice %arg10[%dma_start3A_295] : memref<5x!tpu.dma_semaphore, #tpu.memory_space<semaphore_mem>> -> memref<1x!tpu.dma_semaphore, #tpu.memory_space<semaphore_mem>>
      %dma_start3A_307 = tpu.memref_squeeze %dma_start3A_306 : memref<1x!tpu.dma_semaphore, #tpu.memory_space<semaphore_mem>> -> memref<!tpu.dma_semaphore, #tpu.memory_space<semaphore_mem>>
      tpu.enqueue_indirect_dma source(%dma_start3A_299 : memref<40x128xf32, #tpu.memory_space<vmem>>) target(%dma_start3A_305 : memref<10000x128xf32, #tpu.memory_space<vmem_shared>>) offsets(%dma_start3A_302 : memref<40xi32, #tpu.memory_space<vmem>>) semaphore(%dma_start3A_307 : memref<!tpu.dma_semaphore, #tpu.memory_space<semaphore_mem>>) {add = true}
      %sub3A_308 = arith.constant 1 : i32
      %sub3A_309 = arith.subi %add3A_274, %sub3A_308 : i32
      %dma_wait3A_310 = arith.constant 1 : i32
      %dma_wait3A_311 = arith.constant 1 : i32
      %dma_wait3A_312 = arith.constant 0 : i32
      %dma_wait3A_313 = arith.constant 0 : i32
      %dma_wait3A_314 = tpu.memref_slice %arg7[%dma_wait3A_310, %dma_wait3A_312, %dma_wait3A_313] : memref<5x40x128xf32, #tpu.memory_space<vmem>> -> memref<1x40x128xf32, #tpu.memory_space<vmem>>
      %dma_wait3A_315 = tpu.memref_squeeze %dma_wait3A_314 : memref<1x40x128xf32, #tpu.memory_space<vmem>> -> memref<40x128xf32, #tpu.memory_space<vmem>>
      %dma_wait3A_316 = arith.constant 0 : i32
      %dma_wait3A_317 = tpu.memref_slice %arg6[%sub3A_309, %dma_wait3A_316] : memref<250x40xi32, #tpu.memory_space<vmem>> -> memref<1x40xi32, #tpu.memory_space<vmem>>
      %dma_wait3A_318 = tpu.memref_squeeze %dma_wait3A_317 : memref<1x40xi32, #tpu.memory_space<vmem>> -> memref<40xi32, #tpu.memory_space<vmem>>
      %dma_wait3A_319 = arith.constant 0 : i32
      %dma_wait3A_320 = arith.constant 0 : i32
      %dma_wait3A_321 = tpu.memref_slice %arg5[%dma_wait3A_319, %dma_wait3A_320] : memref<10000x128xf32, #tpu.memory_space<vmem_shared>> -> memref<10000x128xf32, #tpu.memory_space<vmem_shared>>
      %dma_wait3A_322 = tpu.memref_slice %arg10[%dma_wait3A_311] : memref<5x!tpu.dma_semaphore, #tpu.memory_space<semaphore_mem>> -> memref<1x!tpu.dma_semaphore, #tpu.memory_space<semaphore_mem>>
      %dma_wait3A_323 = tpu.memref_squeeze %dma_wait3A_322 : memref<1x!tpu.dma_semaphore, #tpu.memory_space<semaphore_mem>> -> memref<!tpu.dma_semaphore, #tpu.memory_space<semaphore_mem>>
      tpu.wait_indirect_dma semaphore(%dma_wait3A_323 : memref<!tpu.dma_semaphore, #tpu.memory_space<semaphore_mem>>) src(%dma_wait3A_315 : memref<40x128xf32, #tpu.memory_space<vmem>>) dst(%dma_wait3A_321 : memref<10000x128xf32, #tpu.memory_space<vmem_shared>>)
      %add3A_324 = arith.constant 5 : i32
      %add3A_325 = arith.addi %sub3A_309, %add3A_324 : i32
      %lt3A_326 = arith.constant 250 : i32
      %lt3A_327 = arith.cmpi slt, %add3A_325, %lt3A_326 : i32
      %convert_element_type3A_328 = arith.extui %lt3A_327 : i1 to i32
      %cond3A_329 = arith.constant 0 : i32
      %cond3A_330 = arith.cmpi ne, %convert_element_type3A_328, %cond3A_329 : i32
      scf.if %cond3A_330 {
        %add3A_451 = arith.constant 5 : i32
        %add3A_452 = arith.addi %sub3A_309, %add3A_451 : i32
        %mul3A_453 = arith.constant 40 : i32
        %mul3A_454 = arith.muli %add3A_452, %mul3A_453 : i32
        %add3A_455 = arith.addi %mul3A_2, %mul3A_454 : i32
        %dma_start3A_456 = arith.constant 1 : i32
        %dma_start3A_457 = arith.constant 1 : i32
        %dma_start3A_458 = arith.constant 0 : i32
        %dma_start3A_459 = arith.constant 0 : i32
        %dma_start3A_460 = tpu.memref_slice %arg7[%dma_start3A_456, %dma_start3A_458, %dma_start3A_459] : memref<5x40x128xf32, #tpu.memory_space<vmem>> -> memref<1x40x128xf32, #tpu.memory_space<vmem>>
        %dma_start3A_461 = tpu.memref_squeeze %dma_start3A_460 : memref<1x40x128xf32, #tpu.memory_space<vmem>> -> memref<40x128xf32, #tpu.memory_space<vmem>>
        %dma_start3A_462 = arith.constant 0 : i32
        %dma_start3A_463 = tpu.memref_slice %arg2[%add3A_455, %dma_start3A_462] : memref<320000x128xf32, #tpu.memory_space<hbm>> -> memref<40x128xf32, #tpu.memory_space<hbm>>
        %dma_start3A_464 = tpu.memref_slice %arg9[%dma_start3A_457] : memref<5x!tpu.dma_semaphore, #tpu.memory_space<semaphore_mem>> -> memref<1x!tpu.dma_semaphore, #tpu.memory_space<semaphore_mem>>
        %dma_start3A_465 = tpu.memref_squeeze %dma_start3A_464 : memref<1x!tpu.dma_semaphore, #tpu.memory_space<semaphore_mem>> -> memref<!tpu.dma_semaphore, #tpu.memory_space<semaphore_mem>>
        %dma_start3A_466 = arith.constant 0 : i32
        %dma_start3A_467 = arith.constant 0 : i32
        %dma_start3A_468 = tpu.memref_slice %arg7[%dma_start3A_456, %dma_start3A_466, %dma_start3A_467] : memref<5x40x128xf32, #tpu.memory_space<vmem>> -> memref<1x40x128xf32, #tpu.memory_space<vmem>>
        %dma_start3A_469 = tpu.memref_squeeze %dma_start3A_468 : memref<1x40x128xf32, #tpu.memory_space<vmem>> -> memref<40x128xf32, #tpu.memory_space<vmem>>
        %dma_start3A_470 = arith.constant 0 : i32
        %dma_start3A_471 = tpu.memref_slice %arg2[%add3A_455, %dma_start3A_470] : memref<320000x128xf32, #tpu.memory_space<hbm>> -> memref<40x128xf32, #tpu.memory_space<hbm>>
        tpu.enqueue_dma source(%dma_start3A_471 : memref<40x128xf32, #tpu.memory_space<hbm>>) target(%dma_start3A_469 : memref<40x128xf32, #tpu.memory_space<vmem>>) target_semaphore(%dma_start3A_465 : memref<!tpu.dma_semaphore, #tpu.memory_space<semaphore_mem>>)
      } else {
      }
      %mul3A_331 = arith.constant 5 : i32
      %mul3A_332 = arith.muli %scan3A_171, %mul3A_331 : i32
      %add3A_333 = arith.constant 3 : i32
      %add3A_334 = arith.addi %mul3A_332, %add3A_333 : i32
      %mul3A_335 = arith.constant 40 : i32
      %mul3A_336 = arith.muli %add3A_334, %mul3A_335 : i32
      %add3A_337 = arith.addi %mul3A_2, %mul3A_336 : i32
      %dma_wait3A_338 = arith.constant 3 : i32
      %dma_wait3A_339 = arith.constant 3 : i32
      %dma_wait3A_340 = arith.constant 0 : i32
      %dma_wait3A_341 = arith.constant 0 : i32
      %dma_wait3A_342 = tpu.memref_slice %arg7[%dma_wait3A_338, %dma_wait3A_340, %dma_wait3A_341] : memref<5x40x128xf32, #tpu.memory_space<vmem>> -> memref<1x40x128xf32, #tpu.memory_space<vmem>>
      %dma_wait3A_343 = tpu.memref_squeeze %dma_wait3A_342 : memref<1x40x128xf32, #tpu.memory_space<vmem>> -> memref<40x128xf32, #tpu.memory_space<vmem>>
      %dma_wait3A_344 = arith.constant 0 : i32
      %dma_wait3A_345 = tpu.memref_slice %arg2[%add3A_337, %dma_wait3A_344] : memref<320000x128xf32, #tpu.memory_space<hbm>> -> memref<40x128xf32, #tpu.memory_space<hbm>>
      %dma_wait3A_346 = tpu.memref_slice %arg9[%dma_wait3A_339] : memref<5x!tpu.dma_semaphore, #tpu.memory_space<semaphore_mem>> -> memref<1x!tpu.dma_semaphore, #tpu.memory_space<semaphore_mem>>
      %dma_wait3A_347 = tpu.memref_squeeze %dma_wait3A_346 : memref<1x!tpu.dma_semaphore, #tpu.memory_space<semaphore_mem>> -> memref<!tpu.dma_semaphore, #tpu.memory_space<semaphore_mem>>
      %dma_wait3A_348 = arith.constant 0 : i32
      %dma_wait3A_349 = arith.constant 0 : i32
      %dma_wait3A_350 = tpu.memref_slice %arg7[%dma_wait3A_338, %dma_wait3A_348, %dma_wait3A_349] : memref<5x40x128xf32, #tpu.memory_space<vmem>> -> memref<1x40x128xf32, #tpu.memory_space<vmem>>
      %dma_wait3A_351 = tpu.memref_squeeze %dma_wait3A_350 : memref<1x40x128xf32, #tpu.memory_space<vmem>> -> memref<40x128xf32, #tpu.memory_space<vmem>>
      %dma_wait3A_352 = arith.constant 0 : i32
      %dma_wait3A_353 = tpu.memref_slice %arg2[%add3A_337, %dma_wait3A_352] : memref<320000x128xf32, #tpu.memory_space<hbm>> -> memref<40x128xf32, #tpu.memory_space<hbm>>
      tpu.wait_dma2 semaphore(%dma_wait3A_347 : memref<!tpu.dma_semaphore, #tpu.memory_space<semaphore_mem>>) src(%dma_wait3A_353 : memref<40x128xf32, #tpu.memory_space<hbm>>) dst(%dma_wait3A_351 : memref<40x128xf32, #tpu.memory_space<vmem>>)
      %dma_start3A_354 = arith.constant 3 : i32
      %dma_start3A_355 = arith.constant 3 : i32
      %dma_start3A_356 = arith.constant 0 : i32
      %dma_start3A_357 = arith.constant 0 : i32
      %dma_start3A_358 = tpu.memref_slice %arg7[%dma_start3A_354, %dma_start3A_356, %dma_start3A_357] : memref<5x40x128xf32, #tpu.memory_space<vmem>> -> memref<1x40x128xf32, #tpu.memory_space<vmem>>
      %dma_start3A_359 = tpu.memref_squeeze %dma_start3A_358 : memref<1x40x128xf32, #tpu.memory_space<vmem>> -> memref<40x128xf32, #tpu.memory_space<vmem>>
      %dma_start3A_360 = arith.constant 0 : i32
      %dma_start3A_361 = tpu.memref_slice %arg6[%add3A_334, %dma_start3A_360] : memref<250x40xi32, #tpu.memory_space<vmem>> -> memref<1x40xi32, #tpu.memory_space<vmem>>
      %dma_start3A_362 = tpu.memref_squeeze %dma_start3A_361 : memref<1x40xi32, #tpu.memory_space<vmem>> -> memref<40xi32, #tpu.memory_space<vmem>>
      %dma_start3A_363 = arith.constant 0 : i32
      %dma_start3A_364 = arith.constant 0 : i32
      %dma_start3A_365 = tpu.memref_slice %arg5[%dma_start3A_363, %dma_start3A_364] : memref<10000x128xf32, #tpu.memory_space<vmem_shared>> -> memref<10000x128xf32, #tpu.memory_space<vmem_shared>>
      %dma_start3A_366 = tpu.memref_slice %arg10[%dma_start3A_355] : memref<5x!tpu.dma_semaphore, #tpu.memory_space<semaphore_mem>> -> memref<1x!tpu.dma_semaphore, #tpu.memory_space<semaphore_mem>>
      %dma_start3A_367 = tpu.memref_squeeze %dma_start3A_366 : memref<1x!tpu.dma_semaphore, #tpu.memory_space<semaphore_mem>> -> memref<!tpu.dma_semaphore, #tpu.memory_space<semaphore_mem>>
      tpu.enqueue_indirect_dma source(%dma_start3A_359 : memref<40x128xf32, #tpu.memory_space<vmem>>) target(%dma_start3A_365 : memref<10000x128xf32, #tpu.memory_space<vmem_shared>>) offsets(%dma_start3A_362 : memref<40xi32, #tpu.memory_space<vmem>>) semaphore(%dma_start3A_367 : memref<!tpu.dma_semaphore, #tpu.memory_space<semaphore_mem>>) {add = true}
      %sub3A_368 = arith.constant 1 : i32
      %sub3A_369 = arith.subi %add3A_334, %sub3A_368 : i32
      %dma_wait3A_370 = arith.constant 2 : i32
      %dma_wait3A_371 = arith.constant 2 : i32
      %dma_wait3A_372 = arith.constant 0 : i32
      %dma_wait3A_373 = arith.constant 0 : i32
      %dma_wait3A_374 = tpu.memref_slice %arg7[%dma_wait3A_370, %dma_wait3A_372, %dma_wait3A_373] : memref<5x40x128xf32, #tpu.memory_space<vmem>> -> memref<1x40x128xf32, #tpu.memory_space<vmem>>
      %dma_wait3A_375 = tpu.memref_squeeze %dma_wait3A_374 : memref<1x40x128xf32, #tpu.memory_space<vmem>> -> memref<40x128xf32, #tpu.memory_space<vmem>>
      %dma_wait3A_376 = arith.constant 0 : i32
      %dma_wait3A_377 = tpu.memref_slice %arg6[%sub3A_369, %dma_wait3A_376] : memref<250x40xi32, #tpu.memory_space<vmem>> -> memref<1x40xi32, #tpu.memory_space<vmem>>
      %dma_wait3A_378 = tpu.memref_squeeze %dma_wait3A_377 : memref<1x40xi32, #tpu.memory_space<vmem>> -> memref<40xi32, #tpu.memory_space<vmem>>
      %dma_wait3A_379 = arith.constant 0 : i32
      %dma_wait3A_380 = arith.constant 0 : i32
      %dma_wait3A_381 = tpu.memref_slice %arg5[%dma_wait3A_379, %dma_wait3A_380] : memref<10000x128xf32, #tpu.memory_space<vmem_shared>> -> memref<10000x128xf32, #tpu.memory_space<vmem_shared>>
      %dma_wait3A_382 = tpu.memref_slice %arg10[%dma_wait3A_371] : memref<5x!tpu.dma_semaphore, #tpu.memory_space<semaphore_mem>> -> memref<1x!tpu.dma_semaphore, #tpu.memory_space<semaphore_mem>>
      %dma_wait3A_383 = tpu.memref_squeeze %dma_wait3A_382 : memref<1x!tpu.dma_semaphore, #tpu.memory_space<semaphore_mem>> -> memref<!tpu.dma_semaphore, #tpu.memory_space<semaphore_mem>>
      tpu.wait_indirect_dma semaphore(%dma_wait3A_383 : memref<!tpu.dma_semaphore, #tpu.memory_space<semaphore_mem>>) src(%dma_wait3A_375 : memref<40x128xf32, #tpu.memory_space<vmem>>) dst(%dma_wait3A_381 : memref<10000x128xf32, #tpu.memory_space<vmem_shared>>)
      %add3A_384 = arith.constant 5 : i32
      %add3A_385 = arith.addi %sub3A_369, %add3A_384 : i32
      %lt3A_386 = arith.constant 250 : i32
      %lt3A_387 = arith.cmpi slt, %add3A_385, %lt3A_386 : i32
      %convert_element_type3A_388 = arith.extui %lt3A_387 : i1 to i32
      %cond3A_389 = arith.constant 0 : i32
      %cond3A_390 = arith.cmpi ne, %convert_element_type3A_388, %cond3A_389 : i32
      scf.if %cond3A_390 {
        %add3A_451 = arith.constant 5 : i32
        %add3A_452 = arith.addi %sub3A_369, %add3A_451 : i32
        %mul3A_453 = arith.constant 40 : i32
        %mul3A_454 = arith.muli %add3A_452, %mul3A_453 : i32
        %add3A_455 = arith.addi %mul3A_2, %mul3A_454 : i32
        %dma_start3A_456 = arith.constant 2 : i32
        %dma_start3A_457 = arith.constant 2 : i32
        %dma_start3A_458 = arith.constant 0 : i32
        %dma_start3A_459 = arith.constant 0 : i32
        %dma_start3A_460 = tpu.memref_slice %arg7[%dma_start3A_456, %dma_start3A_458, %dma_start3A_459] : memref<5x40x128xf32, #tpu.memory_space<vmem>> -> memref<1x40x128xf32, #tpu.memory_space<vmem>>
        %dma_start3A_461 = tpu.memref_squeeze %dma_start3A_460 : memref<1x40x128xf32, #tpu.memory_space<vmem>> -> memref<40x128xf32, #tpu.memory_space<vmem>>
        %dma_start3A_462 = arith.constant 0 : i32
        %dma_start3A_463 = tpu.memref_slice %arg2[%add3A_455, %dma_start3A_462] : memref<320000x128xf32, #tpu.memory_space<hbm>> -> memref<40x128xf32, #tpu.memory_space<hbm>>
        %dma_start3A_464 = tpu.memref_slice %arg9[%dma_start3A_457] : memref<5x!tpu.dma_semaphore, #tpu.memory_space<semaphore_mem>> -> memref<1x!tpu.dma_semaphore, #tpu.memory_space<semaphore_mem>>
        %dma_start3A_465 = tpu.memref_squeeze %dma_start3A_464 : memref<1x!tpu.dma_semaphore, #tpu.memory_space<semaphore_mem>> -> memref<!tpu.dma_semaphore, #tpu.memory_space<semaphore_mem>>
        %dma_start3A_466 = arith.constant 0 : i32
        %dma_start3A_467 = arith.constant 0 : i32
        %dma_start3A_468 = tpu.memref_slice %arg7[%dma_start3A_456, %dma_start3A_466, %dma_start3A_467] : memref<5x40x128xf32, #tpu.memory_space<vmem>> -> memref<1x40x128xf32, #tpu.memory_space<vmem>>
        %dma_start3A_469 = tpu.memref_squeeze %dma_start3A_468 : memref<1x40x128xf32, #tpu.memory_space<vmem>> -> memref<40x128xf32, #tpu.memory_space<vmem>>
        %dma_start3A_470 = arith.constant 0 : i32
        %dma_start3A_471 = tpu.memref_slice %arg2[%add3A_455, %dma_start3A_470] : memref<320000x128xf32, #tpu.memory_space<hbm>> -> memref<40x128xf32, #tpu.memory_space<hbm>>
        tpu.enqueue_dma source(%dma_start3A_471 : memref<40x128xf32, #tpu.memory_space<hbm>>) target(%dma_start3A_469 : memref<40x128xf32, #tpu.memory_space<vmem>>) target_semaphore(%dma_start3A_465 : memref<!tpu.dma_semaphore, #tpu.memory_space<semaphore_mem>>)
      } else {
      }
      %mul3A_391 = arith.constant 5 : i32
      %mul3A_392 = arith.muli %scan3A_171, %mul3A_391 : i32
      %add3A_393 = arith.constant 4 : i32
      %add3A_394 = arith.addi %mul3A_392, %add3A_393 : i32
      %mul3A_395 = arith.constant 40 : i32
      %mul3A_396 = arith.muli %add3A_394, %mul3A_395 : i32
      %add3A_397 = arith.addi %mul3A_2, %mul3A_396 : i32
      %dma_wait3A_398 = arith.constant 4 : i32
      %dma_wait3A_399 = arith.constant 4 : i32
      %dma_wait3A_400 = arith.constant 0 : i32
      %dma_wait3A_401 = arith.constant 0 : i32
      %dma_wait3A_402 = tpu.memref_slice %arg7[%dma_wait3A_398, %dma_wait3A_400, %dma_wait3A_401] : memref<5x40x128xf32, #tpu.memory_space<vmem>> -> memref<1x40x128xf32, #tpu.memory_space<vmem>>
      %dma_wait3A_403 = tpu.memref_squeeze %dma_wait3A_402 : memref<1x40x128xf32, #tpu.memory_space<vmem>> -> memref<40x128xf32, #tpu.memory_space<vmem>>
      %dma_wait3A_404 = arith.constant 0 : i32
      %dma_wait3A_405 = tpu.memref_slice %arg2[%add3A_397, %dma_wait3A_404] : memref<320000x128xf32, #tpu.memory_space<hbm>> -> memref<40x128xf32, #tpu.memory_space<hbm>>
      %dma_wait3A_406 = tpu.memref_slice %arg9[%dma_wait3A_399] : memref<5x!tpu.dma_semaphore, #tpu.memory_space<semaphore_mem>> -> memref<1x!tpu.dma_semaphore, #tpu.memory_space<semaphore_mem>>
      %dma_wait3A_407 = tpu.memref_squeeze %dma_wait3A_406 : memref<1x!tpu.dma_semaphore, #tpu.memory_space<semaphore_mem>> -> memref<!tpu.dma_semaphore, #tpu.memory_space<semaphore_mem>>
      %dma_wait3A_408 = arith.constant 0 : i32
      %dma_wait3A_409 = arith.constant 0 : i32
      %dma_wait3A_410 = tpu.memref_slice %arg7[%dma_wait3A_398, %dma_wait3A_408, %dma_wait3A_409] : memref<5x40x128xf32, #tpu.memory_space<vmem>> -> memref<1x40x128xf32, #tpu.memory_space<vmem>>
      %dma_wait3A_411 = tpu.memref_squeeze %dma_wait3A_410 : memref<1x40x128xf32, #tpu.memory_space<vmem>> -> memref<40x128xf32, #tpu.memory_space<vmem>>
      %dma_wait3A_412 = arith.constant 0 : i32
      %dma_wait3A_413 = tpu.memref_slice %arg2[%add3A_397, %dma_wait3A_412] : memref<320000x128xf32, #tpu.memory_space<hbm>> -> memref<40x128xf32, #tpu.memory_space<hbm>>
      tpu.wait_dma2 semaphore(%dma_wait3A_407 : memref<!tpu.dma_semaphore, #tpu.memory_space<semaphore_mem>>) src(%dma_wait3A_413 : memref<40x128xf32, #tpu.memory_space<hbm>>) dst(%dma_wait3A_411 : memref<40x128xf32, #tpu.memory_space<vmem>>)
      %dma_start3A_414 = arith.constant 4 : i32
      %dma_start3A_415 = arith.constant 4 : i32
      %dma_start3A_416 = arith.constant 0 : i32
      %dma_start3A_417 = arith.constant 0 : i32
      %dma_start3A_418 = tpu.memref_slice %arg7[%dma_start3A_414, %dma_start3A_416, %dma_start3A_417] : memref<5x40x128xf32, #tpu.memory_space<vmem>> -> memref<1x40x128xf32, #tpu.memory_space<vmem>>
      %dma_start3A_419 = tpu.memref_squeeze %dma_start3A_418 : memref<1x40x128xf32, #tpu.memory_space<vmem>> -> memref<40x128xf32, #tpu.memory_space<vmem>>
      %dma_start3A_420 = arith.constant 0 : i32
      %dma_start3A_421 = tpu.memref_slice %arg6[%add3A_394, %dma_start3A_420] : memref<250x40xi32, #tpu.memory_space<vmem>> -> memref<1x40xi32, #tpu.memory_space<vmem>>
      %dma_start3A_422 = tpu.memref_squeeze %dma_start3A_421 : memref<1x40xi32, #tpu.memory_space<vmem>> -> memref<40xi32, #tpu.memory_space<vmem>>
      %dma_start3A_423 = arith.constant 0 : i32
      %dma_start3A_424 = arith.constant 0 : i32
      %dma_start3A_425 = tpu.memref_slice %arg5[%dma_start3A_423, %dma_start3A_424] : memref<10000x128xf32, #tpu.memory_space<vmem_shared>> -> memref<10000x128xf32, #tpu.memory_space<vmem_shared>>
      %dma_start3A_426 = tpu.memref_slice %arg10[%dma_start3A_415] : memref<5x!tpu.dma_semaphore, #tpu.memory_space<semaphore_mem>> -> memref<1x!tpu.dma_semaphore, #tpu.memory_space<semaphore_mem>>
      %dma_start3A_427 = tpu.memref_squeeze %dma_start3A_426 : memref<1x!tpu.dma_semaphore, #tpu.memory_space<semaphore_mem>> -> memref<!tpu.dma_semaphore, #tpu.memory_space<semaphore_mem>>
      tpu.enqueue_indirect_dma source(%dma_start3A_419 : memref<40x128xf32, #tpu.memory_space<vmem>>) target(%dma_start3A_425 : memref<10000x128xf32, #tpu.memory_space<vmem_shared>>) offsets(%dma_start3A_422 : memref<40xi32, #tpu.memory_space<vmem>>) semaphore(%dma_start3A_427 : memref<!tpu.dma_semaphore, #tpu.memory_space<semaphore_mem>>) {add = true}
      %sub3A_428 = arith.constant 1 : i32
      %sub3A_429 = arith.subi %add3A_394, %sub3A_428 : i32
      %dma_wait3A_430 = arith.constant 3 : i32
      %dma_wait3A_431 = arith.constant 3 : i32
      %dma_wait3A_432 = arith.constant 0 : i32
      %dma_wait3A_433 = arith.constant 0 : i32
      %dma_wait3A_434 = tpu.memref_slice %arg7[%dma_wait3A_430, %dma_wait3A_432, %dma_wait3A_433] : memref<5x40x128xf32, #tpu.memory_space<vmem>> -> memref<1x40x128xf32, #tpu.memory_space<vmem>>
      %dma_wait3A_435 = tpu.memref_squeeze %dma_wait3A_434 : memref<1x40x128xf32, #tpu.memory_space<vmem>> -> memref<40x128xf32, #tpu.memory_space<vmem>>
      %dma_wait3A_436 = arith.constant 0 : i32
      %dma_wait3A_437 = tpu.memref_slice %arg6[%sub3A_429, %dma_wait3A_436] : memref<250x40xi32, #tpu.memory_space<vmem>> -> memref<1x40xi32, #tpu.memory_space<vmem>>
      %dma_wait3A_438 = tpu.memref_squeeze %dma_wait3A_437 : memref<1x40xi32, #tpu.memory_space<vmem>> -> memref<40xi32, #tpu.memory_space<vmem>>
      %dma_wait3A_439 = arith.constant 0 : i32
      %dma_wait3A_440 = arith.constant 0 : i32
      %dma_wait3A_441 = tpu.memref_slice %arg5[%dma_wait3A_439, %dma_wait3A_440] : memref<10000x128xf32, #tpu.memory_space<vmem_shared>> -> memref<10000x128xf32, #tpu.memory_space<vmem_shared>>
      %dma_wait3A_442 = tpu.memref_slice %arg10[%dma_wait3A_431] : memref<5x!tpu.dma_semaphore, #tpu.memory_space<semaphore_mem>> -> memref<1x!tpu.dma_semaphore, #tpu.memory_space<semaphore_mem>>
      %dma_wait3A_443 = tpu.memref_squeeze %dma_wait3A_442 : memref<1x!tpu.dma_semaphore, #tpu.memory_space<semaphore_mem>> -> memref<!tpu.dma_semaphore, #tpu.memory_space<semaphore_mem>>
      tpu.wait_indirect_dma semaphore(%dma_wait3A_443 : memref<!tpu.dma_semaphore, #tpu.memory_space<semaphore_mem>>) src(%dma_wait3A_435 : memref<40x128xf32, #tpu.memory_space<vmem>>) dst(%dma_wait3A_441 : memref<10000x128xf32, #tpu.memory_space<vmem_shared>>)
      %add3A_444 = arith.constant 5 : i32
      %add3A_445 = arith.addi %sub3A_429, %add3A_444 : i32
      %lt3A_446 = arith.constant 250 : i32
      %lt3A_447 = arith.cmpi slt, %add3A_445, %lt3A_446 : i32
      %convert_element_type3A_448 = arith.extui %lt3A_447 : i1 to i32
      %cond3A_449 = arith.constant 0 : i32
      %cond3A_450 = arith.cmpi ne, %convert_element_type3A_448, %cond3A_449 : i32
      scf.if %cond3A_450 {
        %add3A_451 = arith.constant 5 : i32
        %add3A_452 = arith.addi %sub3A_429, %add3A_451 : i32
        %mul3A_453 = arith.constant 40 : i32
        %mul3A_454 = arith.muli %add3A_452, %mul3A_453 : i32
        %add3A_455 = arith.addi %mul3A_2, %mul3A_454 : i32
        %dma_start3A_456 = arith.constant 3 : i32
        %dma_start3A_457 = arith.constant 3 : i32
        %dma_start3A_458 = arith.constant 0 : i32
        %dma_start3A_459 = arith.constant 0 : i32
        %dma_start3A_460 = tpu.memref_slice %arg7[%dma_start3A_456, %dma_start3A_458, %dma_start3A_459] : memref<5x40x128xf32, #tpu.memory_space<vmem>> -> memref<1x40x128xf32, #tpu.memory_space<vmem>>
        %dma_start3A_461 = tpu.memref_squeeze %dma_start3A_460 : memref<1x40x128xf32, #tpu.memory_space<vmem>> -> memref<40x128xf32, #tpu.memory_space<vmem>>
        %dma_start3A_462 = arith.constant 0 : i32
        %dma_start3A_463 = tpu.memref_slice %arg2[%add3A_455, %dma_start3A_462] : memref<320000x128xf32, #tpu.memory_space<hbm>> -> memref<40x128xf32, #tpu.memory_space<hbm>>
        %dma_start3A_464 = tpu.memref_slice %arg9[%dma_start3A_457] : memref<5x!tpu.dma_semaphore, #tpu.memory_space<semaphore_mem>> -> memref<1x!tpu.dma_semaphore, #tpu.memory_space<semaphore_mem>>
        %dma_start3A_465 = tpu.memref_squeeze %dma_start3A_464 : memref<1x!tpu.dma_semaphore, #tpu.memory_space<semaphore_mem>> -> memref<!tpu.dma_semaphore, #tpu.memory_space<semaphore_mem>>
        %dma_start3A_466 = arith.constant 0 : i32
        %dma_start3A_467 = arith.constant 0 : i32
        %dma_start3A_468 = tpu.memref_slice %arg7[%dma_start3A_456, %dma_start3A_466, %dma_start3A_467] : memref<5x40x128xf32, #tpu.memory_space<vmem>> -> memref<1x40x128xf32, #tpu.memory_space<vmem>>
        %dma_start3A_469 = tpu.memref_squeeze %dma_start3A_468 : memref<1x40x128xf32, #tpu.memory_space<vmem>> -> memref<40x128xf32, #tpu.memory_space<vmem>>
        %dma_start3A_470 = arith.constant 0 : i32
        %dma_start3A_471 = tpu.memref_slice %arg2[%add3A_455, %dma_start3A_470] : memref<320000x128xf32, #tpu.memory_space<hbm>> -> memref<40x128xf32, #tpu.memory_space<hbm>>
        tpu.enqueue_dma source(%dma_start3A_471 : memref<40x128xf32, #tpu.memory_space<hbm>>) target(%dma_start3A_469 : memref<40x128xf32, #tpu.memory_space<vmem>>) target_semaphore(%dma_start3A_465 : memref<!tpu.dma_semaphore, #tpu.memory_space<semaphore_mem>>)
      } else {
      }
    }
    %scan3A_155 = arith.constant 50 : i32
    %dma_wait3A = arith.constant 4 : i32
    %dma_wait3A_156 = arith.constant 249 : i32
    %dma_wait3A_157 = arith.constant 4 : i32
    %dma_wait3A_158 = arith.constant 0 : i32
    %dma_wait3A_159 = arith.constant 0 : i32
    %dma_wait3A_160 = tpu.memref_slice %arg7[%dma_wait3A, %dma_wait3A_158, %dma_wait3A_159] : memref<5x40x128xf32, #tpu.memory_space<vmem>> -> memref<1x40x128xf32, #tpu.memory_space<vmem>>
    %dma_wait3A_161 = tpu.memref_squeeze %dma_wait3A_160 : memref<1x40x128xf32, #tpu.memory_space<vmem>> -> memref<40x128xf32, #tpu.memory_space<vmem>>
    %dma_wait3A_162 = arith.constant 0 : i32
    %dma_wait3A_163 = tpu.memref_slice %arg6[%dma_wait3A_156, %dma_wait3A_162] : memref<250x40xi32, #tpu.memory_space<vmem>> -> memref<1x40xi32, #tpu.memory_space<vmem>>
    %dma_wait3A_164 = tpu.memref_squeeze %dma_wait3A_163 : memref<1x40xi32, #tpu.memory_space<vmem>> -> memref<40xi32, #tpu.memory_space<vmem>>
    %dma_wait3A_165 = arith.constant 0 : i32
    %dma_wait3A_166 = arith.constant 0 : i32
    %dma_wait3A_167 = tpu.memref_slice %arg5[%dma_wait3A_165, %dma_wait3A_166] : memref<10000x128xf32, #tpu.memory_space<vmem_shared>> -> memref<10000x128xf32, #tpu.memory_space<vmem_shared>>
    %dma_wait3A_168 = tpu.memref_slice %arg10[%dma_wait3A_157] : memref<5x!tpu.dma_semaphore, #tpu.memory_space<semaphore_mem>> -> memref<1x!tpu.dma_semaphore, #tpu.memory_space<semaphore_mem>>
    %dma_wait3A_169 = tpu.memref_squeeze %dma_wait3A_168 : memref<1x!tpu.dma_semaphore, #tpu.memory_space<semaphore_mem>> -> memref<!tpu.dma_semaphore, #tpu.memory_space<semaphore_mem>>
    tpu.wait_indirect_dma semaphore(%dma_wait3A_169 : memref<!tpu.dma_semaphore, #tpu.memory_space<semaphore_mem>>) src(%dma_wait3A_161 : memref<40x128xf32, #tpu.memory_space<vmem>>) dst(%dma_wait3A_167 : memref<10000x128xf32, #tpu.memory_space<vmem_shared>>)
    %barrier3A_170 = arith.constant 0 : index
    tpu.barrier barrier_id(%barrier3A_170)
    "tpu.region"() ({
      %run_scoped3A = tpu.sem_alloc : memref<!tpu.dma_semaphore, #tpu.memory_space<semaphore_mem>>
      %dma_start3A_171 = arith.constant 0 : i32
      %dma_start3A_172 = tpu.memref_slice %arg4[%mul3A_99, %dma_start3A_171] : memref<10000x128xf32, #tpu.memory_space<hbm>> -> memref<625x128xf32, #tpu.memory_space<hbm>>
      %dma_start3A_173 = arith.constant 0 : i32
      %dma_start3A_174 = tpu.memref_slice %arg5[%mul3A_99, %dma_start3A_173] : memref<10000x128xf32, #tpu.memory_space<vmem_shared>> -> memref<625x128xf32, #tpu.memory_space<vmem_shared>>
      tpu.enqueue_dma source(%dma_start3A_174 : memref<625x128xf32, #tpu.memory_space<vmem_shared>>) target(%dma_start3A_172 : memref<625x128xf32, #tpu.memory_space<hbm>>) target_semaphore(%run_scoped3A : memref<!tpu.dma_semaphore, #tpu.memory_space<semaphore_mem>>)
      %dma_wait3A_175 = arith.constant 0 : i32
      %dma_wait3A_176 = tpu.memref_slice %arg4[%mul3A_99, %dma_wait3A_175] : memref<10000x128xf32, #tpu.memory_space<hbm>> -> memref<625x128xf32, #tpu.memory_space<hbm>>
      %dma_wait3A_177 = arith.constant 0 : i32
      %dma_wait3A_178 = tpu.memref_slice %arg5[%mul3A_99, %dma_wait3A_177] : memref<10000x128xf32, #tpu.memory_space<vmem_shared>> -> memref<625x128xf32, #tpu.memory_space<vmem_shared>>
      tpu.wait_dma2 semaphore(%run_scoped3A : memref<!tpu.dma_semaphore, #tpu.memory_space<semaphore_mem>>) src(%dma_wait3A_178 : memref<625x128xf32, #tpu.memory_space<vmem_shared>>) dst(%dma_wait3A_176 : memref<625x128xf32, #tpu.memory_space<hbm>>)
      tpu.yield
    }) : () -> ()
    return
  }
}

</mosaic_0001>

<sc_bundles>
// kernel: kernel.3.cloned.1.call-start
scs
__scs_entry_jumppad:
0x0: {  	(pc) =	sbr.rel $0x88, $3  }
0x1: {  	(tag) =	ssettag $0x0;
	lr =	simm.s32 $0x1  }
0x2: {  	[smem:$0x3F9F] =	sst lr;
	_ =	strace $0xD0000000  }
0x3: {  	_ = 	snop  }
0x4: {  	_ = 	snop  }
0x5: {  	_ = 	snop  }
0x6: {  	_ = 	snop  }
0x7: {  	_ = 	snop  }
__scs_overlays_trampoline_lowered:
0x8: {  	[smem:$0x3FAE] =	sst s0  }
0x9: {  	[smem:$0x3FAF] =	sst s1  }
0xa: {  	[smem:$0x3FB0] =	sst s2  }
0xb: {  	[smem:$0x3FB1] =	sst s3  }
0xc: {  	[smem:$0x3FB2] =	sst s4  }
0xd: {  	[smem:$0x3FB3] =	sst s5  }
0xe: {  	[smem:$0x3FB4] =	sst s6  }
0xf: {  	[smem:$0x3FB5] =	sst s7  }
0x10: {  	[smem:$0x3FB6] =	sst s8  }
0x11: {  	[smem:$0x3FB7] =	sst s9;
	s0 =	simm.s32 @!p0 $0x0  }
0x12: {  	s1 =	sld [smem:$0x3F9D];
	s0 =	simm.s32 @p0 $0x1  }
0x13: {  	[smem:$0x3FB8] =	sst s0;
	s0 =	simm.s32 @!p1 $0x0  }
0x14: {  	s2 =	sld [smem:$0x3F9C];
	s0 =	simm.s32 @p1 $0x1  }
0x15: {  	[smem:$0x3FB9] =	sst s0;
	s0 =	simm.s32 @!p2 $0x0  }
0x16: {  	s3 =	sld [smem:$0x3FDB];
	s0 =	simm.s32 @p2 $0x1  }
0x17: {  	s4 =	simm.s32 $0x1BF5;
	[smem:$0x3FBB] =	sst s0  }
0x18: {  	s0 =	sld [smem:$0x3F9E];
	_ =	swait.ge [sflag:s4], $0x0  }
0x19: {  	s7 =	sld [smem:$0x3F9F]  }
0x1a: {  	s8 =	sadd.s32 $0xFFFFE003, lr  }
0x1b: {  	s9 =	sadd.s32 $0xFFFFFEF7, lr;
	s5 =	simm.s32 $0xFFFFFFFF;
	p2 =	slt.u32 s8, $0xFFFFF086  }
0x1c: {  	p1 =	slt.u32 s9, $0xF7A;
	s5 =	simm.s32 @!p2 $0x0  }
0x1d: {  	s5 =	simm.s32 @p1 $0x1;
	p0 =	seq.s32 s7, s2  }
0x1e: {  	s7 =	smul.u32 @!p0 $0xF7A, s2;
	p2 =	seq.s32 @!p0 s5, $0x0  }
0x1f: {  	s9 =	smul.u32 $0xF7A, s1;
	s8 =	simm.s32 @!p0 $0x1BF5;
	p2 =	por !p2, p0  }
0x20: {  	[sflag:s8] =	ssyncset.s32 @!p0 $0xFFFFF086;
	s6 =	sadd.s32 @!p0 s3, s7;
	s7 =	simm.s32 @!p0 $0x108  }
0x21: {  	s3 =	sadd.s32 s3, s9;
	s6 =	sadd.s32 @!p0 $0x88, s6;
	s7 =	simm.s32 @p2 $0x1082  }
0x22: {  	[simem:s7], [sflag:s8] =	dma.local @!p0 [hbm:s6], $0xF7A  }
0x23: {  	s9 =	sor.u32 $0xD0000000, s2;
	s6 =	simm.s32 $0x108;
	_ =	swait.ge @!p0 [sflag:s8], $0x0  }
0x24: {  	s3 =	sadd.s32 $0x88, s3;
	s6 =	simm.s32 @!p1 $0x1082;
	[sflag:s4] =	ssyncset.s32 $0xFFFFF086  }
0x25: {  	[simem:s6], [sflag:s4] =	dma.local [hbm:s3], $0xF7A  }
0x26: {  	[smem:$0x3F9F] =	sst s1;
	(tag) =	ssettag s2;
	_ =	strace s9  }
0x27: {  	s1 =	sld [smem:$0x3FAF]  }
0x28: {  	s2 =	sld [smem:$0x3FB0]  }
0x29: {  	s4 =	sld [smem:$0x3FB2]  }
0x2a: {  	p0 =	seq.s32 s5, $0x0;
	s5 =	sld [smem:$0x3FB3]  }
0x2b: {  	s6 =	sld [smem:$0x3FB4]  }
0x2c: {  	s7 =	sld [smem:$0x3FB5]  }
0x2d: {  	s3 =	simm.s32 $0x108;
	s8 =	sld [smem:$0x3FB6]  }
0x2e: {  	s3 =	simm.s32 @!p0 $0x1082;
	s9 =	sld [smem:$0x3FB7]  }
0x2f: {  	lr =	sadd.s32 s0, s3;
	s0 =	sld [smem:$0x3FAE]  }
0x30: {  	s3 =	sld [smem:$0x3FB1]  }
0x31: {  	[smem:$0x3FBA] =	sst s10  }
0x32: {  	s10 =	sld [smem:$0x3FB8];
	_ =	sdelay $0x3  }
0x33: {  	p0 =	seq.s32 s10, $0x1;
	s10 =	sld [smem:$0x3FBA];
	_ =	sdelay $0x3  }
0x34: {  	[smem:$0x3FBA] =	sst s10  }
0x35: {  	s10 =	sld [smem:$0x3FB9];
	_ =	sdelay $0x3  }
0x36: {  	p1 =	seq.s32 s10, $0x1;
	s10 =	sld [smem:$0x3FBA];
	_ =	sdelay $0x3  }
0x37: {  	[smem:$0x3FBA] =	sst s10  }
0x38: {  	s10 =	sld [smem:$0x3FBB]  }
0x39: {  	_ = 	snop;
	(pc) =	sbr.ind lr, $3  }
0x3a: {  	_ = 	snop  }
0x3b: {  	_ = 	snop  }
0x3c: {  	p2 =	seq.s32 s10, $0x1;
	s10 =	sld [smem:$0x3FBA]  }
0x3d: {  	_ =	shalt  }
0x3e: {  	_ =	shalt  }
0x3f: {  	_ =	shalt  }
0x40: {  	_ =	shalt  }
0x41: {  	_ =	shalt  }
0x42: {  	_ =	shalt  }
0x43: {  	_ =	shalt  }
0x44: {  	_ =	shalt  }
0x45: {  	_ =	shalt  }
0x46: {  	_ =	shalt  }
0x47: {  	_ =	shalt  }
0x48: {  	_ =	shalt  }
0x49: {  	_ =	shalt  }
0x4a: {  	_ =	shalt  }
0x4b: {  	_ =	shalt  }
0x4c: {  	_ =	shalt  }
0x4d: {  	_ =	shalt  }
0x4e: {  	_ =	shalt  }
0x4f: {  	_ =	shalt  }
0x50: {  	_ =	shalt  }
0x51: {  	_ =	shalt  }
0x52: {  	_ =	shalt  }
0x53: {  	_ =	shalt  }
0x54: {  	_ =	shalt  }
0x55: {  	_ =	shalt  }
0x56: {  	_ =	shalt  }
0x57: {  	_ =	shalt  }
0x58: {  	_ =	shalt  }
0x59: {  	_ =	shalt  }
0x5a: {  	_ =	shalt  }
0x5b: {  	_ =	shalt  }
0x5c: {  	_ =	shalt  }
0x5d: {  	_ =	shalt  }
0x5e: {  	_ =	shalt  }
0x5f: {  	_ =	shalt  }
0x60: {  	_ =	shalt  }
0x61: {  	_ =	shalt  }
0x62: {  	_ =	shalt  }
0x63: {  	_ =	shalt  }
0x64: {  	_ =	shalt  }
0x65: {  	_ =	shalt  }
0x66: {  	_ =	shalt  }
0x67: {  	_ =	shalt  }
0x68: {  	_ =	shalt  }
0x69: {  	_ =	shalt  }
0x6a: {  	_ =	shalt  }
0x6b: {  	_ =	shalt  }
0x6c: {  	_ =	shalt  }
0x6d: {  	_ =	shalt  }
0x6e: {  	_ =	shalt  }
0x6f: {  	_ =	shalt  }
0x70: {  	_ =	shalt  }
0x71: {  	_ =	shalt  }
0x72: {  	_ =	shalt  }
0x73: {  	_ =	shalt  }
0x74: {  	_ =	shalt  }
0x75: {  	_ =	shalt  }
0x76: {  	_ =	shalt  }
0x77: {  	_ =	shalt  }
0x78: {  	_ =	shalt  }
0x79: {  	_ =	shalt  }
0x7a: {  	_ =	shalt  }
0x7b: {  	_ =	shalt  }
0x7c: {  	_ =	shalt  }
0x7d: {  	_ =	shalt  }
0x7e: {  	_ =	shalt  }
0x7f: {  	_ =	shalt  }
0x80: {  	_ =	shalt  }
0x81: {  	_ =	shalt  }
0x82: {  	_ =	shalt  }
0x83: {  	_ =	shalt  }
0x84: {  	_ =	shalt  }
0x85: {  	_ =	shalt  }
0x86: {  	_ =	shalt  }
0x87: {  	_ =	shalt  }
.Lfunc_end0:
.L_simem_size_0:
called_computation_lowered:
.L_overlay_start_0:
0x88: {  	s2 =	sld [smem:$0x3FD9]  }
0x89: {  	s3 =	sld [smem:$0x3FFE];
	_ =	sdelay $0x1  }
0x8a: {  	s1 =	srdreg.scid  }
0x8b: {  	s0 =	sand.u32 $0x1, s1  }
0x8c: {  	s18 =	sshll.u32 s0, $0xA;
	s2 =	sadd.s32 s3, s2  }
0x8d: {  	s2 =	sadd.s32 s2, s18  }
0x8e: {  	[smem:$0x3FC6] =	sst s2  }
0x8f: {  	_ = 	snop  }
0x90: {  	s2 =	sld [smem:$0x3FC9]  }
0x91: {  	s19 =	sld [smem:$0x3FC8]  }
0x92: {  	s4 =	sld [smem:$0x3FD0];
	(tm) =	ssettm $0x1  }
0x93: {  	s5 =	sld [smem:$0x3FFB];
	_ =	sdelay $0x3  }
0x94: {  	_ =	strace s5  }
0x95: {  	s5 =	sld [smem:$0x3FFC];
	_ =	sdelay $0x3  }
0x96: {  	_ =	strace s5  }
0x97: {  	s5 =	sld [smem:$0x3FFD];
	_ =	sdelay $0x3  }
0x98: {  	_ =	strace s5  }
0x99: {  	_ =	strace $0x8FFFFFFF  }
0x9a: {  	s20 =	sld [smem:$0x3FDB];
	_ =	sdelay $0x1  }
0x9b: {  	s6 =	simm.s32 $_scs_section_size  }
0x9c: {  	s7 =	simm.s32 $_size__tile_overlayer_lowered;
	s8 =	simm.s32 $_tile_overlayer_lowered  }
0x9d: {  	s23 =	simm.s32 $0x1BFF;
	s22 =	sshll.u32 s8, $0x1;
	s5 =	sadd.s32 s6, s20  }
0x9e: {  	s9 =	simm.s32 $0x0;
	s21 =	sshll.u32 s7, $0x1;
	s7 =	sadd.s32 s22, s5  }
0x9f: {  	[timem:s9], [sflag:s23] =	dma.local [hbm:s7], s21  }
0xa0: {  	_ =	swait.ge [sflag:s23], s21  }
0xa1: {  	s6 =	ssub.s32 $0x0, s21;
	[sflag:s23] =	ssyncset.done $0x0  }
0xa2: {  	[sflag:s23] =	ssyncadd.s32 s6;
	_ =	sdelay $0x1  }
0xa3: {  	s24 =	simm.s32 $0x1B8B  }
0xa4: {  	_ =	swait.ge [sflag:s24], $0x1  }
0xa5: {  	[sflag:s24] =	ssyncset.done $0x0  }
0xa6: {  	s25 =	simm.s32 $0x1B8E;
	[sflag:s24] =	ssyncadd.s32 $0xFFFFFFFF  }
0xa7: {  	s26 =	simm.s32 $execute0_lowered;
	[smem:$0x3FD2] =	sst s25  }
0xa8: {  	s6 =	sshll.u32 s26, $0x1;
	_ =	strace $0x80000046;
	[dreg:$0x1] =	wrdreg $0xFFFFFFFF  }
0xa9: {  	s28 =	simm.s32 $_size_execute0_lowered;
	s5 =	sadd.s32 s5, s6;
	[dreg:$0x0] =	wrdreg $0x0  }
0xaa: {  	s6 =	sshll.u32 s28, $0x1;
	[dreg:$0x2] =	wrdreg s5  }
0xab: {  	[dreg:$0x3] =	wrdreg s6  }
0xac: {  	[dreg:$0x4] =	wrdreg $0xC0  }
0xad: {  	_ =	task [dreg:s9], $0x5FFFF  }
0xae: {  	[dreg:$0x1] =	wrdreg $0xFFFFFFFF  }
0xaf: {  	[dreg:$0x0] =	wrdreg $0x60  }
0xb0: {  	[dreg:$0x2] =	wrdreg s2  }
0xb1: {  	[dreg:$0x3] =	wrdreg s19  }
0xb2: {  	[dreg:$0x4] =	wrdreg s4  }
0xb3: {  	[dreg:$0x5] =	wrdreg $0x0  }
0xb4: {  	[dreg:$0x6] =	wrdreg $0x9  }
0xb5: {  	_ =	task.clear_ibuf [dreg:s9], $0x7FFFF;
	_ =	strace $0x90000046  }
0xb6: {  	s29 =	simm.s32 $0x9;
	_ =	strace $0x80000048  }
0xb7: {  	_ =	swait.ge [sflag:s29], $0x1  }
0xb8: {  	[sflag:s29] =	ssyncadd.s32 $0xFFFFFFFF  }
0xb9: {  	_ =	strace $0x90000048  }
0xba: {  	_ =	sfence  }
0xbb: {  	s30 =	sld [smem:$0x0];
	_ =	sdelay $0x2  }
0xbc: {  	s31 =	sshll.u32 s1, $0xD;
	s1 =	sshrl.u32 s1, $0x2  }
0xbd: {  	s3 =	sand.u32 $0x4000, s31;
	s1 =	sadd.s32 s1, s30  }
0xbe: {  	s0 =	sor.u32 s3, s0;
	s1 =	sshll.u32 s1, $0x11  }
0xbf: {  	s0 =	sor.u32 s1, s0  }
0xc0: {  	s0 =	sadd.s32 $0x8F2B, s0  }
0xc1: {  	[sflag:s0] =	ssyncadd.remote.s32 $0x1  }
0xc2: {  	_ =	sfence.sel $0xFFFF  }
0xc3: {  	[dreg:$0x0] =	wrdreg $0xFFFFFFFF;
	(pc) =	sbr.abs _section_cstart, $3  }
0xc4: {  	[dreg:$0x1] =	wrdreg $0xFFFFFFFF  }
0xc5: {  	_ =	task.clear_ibuf [dreg:s9], $0x2FFFF;
	_ =	strace $0x9FFFFFFF  }
0xc6: {  	(tm) =	ssettm $0x7FFFFFFF  }
0xc7: {  	_ =	shalt  }
tec
execute0_lowered:
.L_overlay_start_1:
0x0: {  	(tag) =	ssettag $0x1  }
0x1: {  	s2 =	srdreg.scid  }
0x2: {  	s5 =	sand.u32 $0x1, s2  }
0x3: {  	s0 =	rddreg [dreg:$0x0];
	s11 =	stileid.u32;
	s6 =	sshll.u32 s5, $0x4  }
0x4: {  	s1 =	rddreg [dreg:$0x1];
	s25 =	smul.u32 $0x4E200, s11;
	s6 =	sor.u32 s11, s6  }
0x5: {  	s4 =	rddreg [dreg:$0x2];
	s7 =	smul.u32 $0x138800, s6  }
0x6: {  	s3 =	simm.s32 $0x0;
	s8 =	ssub.s32 $0x2, s5;
	s9 =	smul.u32 $0x2710, s6  }
0x7: {  	[smem:$0x7FF] =	sst s3;
	s10 =	sshrl.u32 s8, $0x1;
	s6 =	smul.u32 $0x27100, s6  }
0x8: {  	s2 =	rddreg [dreg:$0x3];
	_ =	strace $0x80000047;
	s8 =	ssub.s32 s8, s10  }
0x9: {  	s10 =	sshrl.u32 s25, $0x2;
	s6 =	sadd.s32 s0, s6;
	s15 =	sshrl.u32 s9, $0x3  }
0xa: {  	s9 =	sadd.s32 s10, s2;
	[dreg:$0x5] =	wrdreg s6;
	s1 =	sadd.s32 s1, s15  }
0xb: {  	s16 =	sadd.s32 $0xC80, s9;
	[dreg:$0xa] =	wrdreg s1  }
0xc: {  	s17 =	sadd.s32 $0x1900, s9;
	[dreg:$0xb] =	wrdreg s16  }
0xd: {  	s18 =	sadd.s32 $0x2580, s9;
	[dreg:$0xc] =	wrdreg s17  }
0xe: {  	s20 =	sadd.s32 $0x3200, s9;
	[dreg:$0xd] =	wrdreg s18  }
0xf: {  	s21 =	sadd.s32 $0x3E80, s9;
	[dreg:$0xe] =	wrdreg s20  }
0x10: {  	s23 =	sadd.s32 $0x4B00, s9;
	[dreg:$0xf] =	wrdreg s21  }
0x11: {  	s14 =	smul.u32 $0x13880, s11;
	s24 =	sadd.s32 $0x5780, s9;
	[dreg:$0x10] =	wrdreg s23  }
0x12: {  	s22 =	smul.u32 $0x2710, s11;
	s25 =	sadd.s32 $0x6400, s9;
	[dreg:$0x11] =	wrdreg s24  }
0x13: {  	s7 =	sshrl.u32 s7, $0x3;
	s11 =	sadd.s32 $0x7D00, s9;
	[dreg:$0x12] =	wrdreg s25  }
0x14: {  	s7 =	sadd.s32 s0, s7;
	s15 =	sadd.s32 $0xAF00, s9;
	[dreg:$0x15] =	wrdreg s11  }
0x15: {  	s26 =	sadd.s32 $0x280, s7;
	[dreg:$0x19] =	wrdreg s15  }
0x16: {  	s12 =	sadd.s32 $0x500, s7;
	[dreg:$0x6] =	wrdreg s26  }
0x17: {  	s28 =	simm.s32 $0x5;
	s13 =	sadd.s32 $0x780, s7;
	[dreg:$0x7] =	wrdreg s12  }
0x18: {  	s29 =	simm.s32 $0x9;
	s7 =	sadd.s32 $0xA00, s7;
	[dreg:$0x8] =	wrdreg s13  }
0x19: {  	s30 =	simm.s32 $0xA;
	s16 =	sadd.s32 $0xBB80, s9;
	[dreg:$0x9] =	wrdreg s7  }
0x1a: {  	s19 =	smul.u32 $0x27100, s5;
	s17 =	sadd.s32 $0xC800, s9;
	[dreg:$0x1a] =	wrdreg s16  }
0x1b: {  	s31 =	simm.s32 $0x0;
	s18 =	sadd.s32 $0xD480, s9;
	[dreg:$0x1b] =	wrdreg s17  }
0x1c: {  	s1 =	sadd.s32 s22, s19;
	s19 =	sadd.s32 $0xE100, s9;
	[dreg:$0x1c] =	wrdreg s18  }
0x1d: {  	s10 =	sadd.s32 s14, s2;
	s20 =	sadd.s32 $0xED80, s9;
	[dreg:$0x1d] =	wrdreg s19  }
0x1e: {  	s21 =	sadd.s32 $0xFA00, s9;
	s22 =	sadd.s32 $0x10680, s9;
	[dreg:$0x1e] =	wrdreg s20  }
0x1f: {  	s23 =	sadd.s32 $0x11300, s9;
	s24 =	sadd.s32 $0x11F80, s9;
	[dreg:$0x1f] =	wrdreg s21  }
0x20: {  	s25 =	sadd.s32 $0x12C00, s9;
	s15 =	simm.s32 $0x17390;
	[smem:$0x7F9] =	sst s22  }
0x21: {  	s26 =	sadd.s32 $0x7080, s9;
	s7 =	sshrl.u32 s14, $0x3;
	[smem:$0x7FA] =	sst s23  }
0x22: {  	s1 =	sshll.u32 s1, $0x4;
	s12 =	sadd.s32 $0x8980, s9;
	[smem:$0x7FB] =	sst s24  }
0x23: {  	s13 =	sadd.s32 $0x9600, s9;
	s14 =	sadd.s32 $0xA280, s9;
	[smem:$0x7FC] =	sst s25  }
0x24: {  	s16 =	simm.s32 $0x18790;
	s17 =	simm.s32 $0x19B90;
	s18 =	simm.s32 $0x1AF90  }
0x25: {  	s19 =	simm.s32 $0xB;
	s20 =	simm.s32 $0x1C390;
	[dreg:$0x13] =	wrdreg s26  }
0x26: {  	s21 =	simm.s32 $0x1;
	s22 =	simm.s32 $0x28;
	[dreg:$0x16] =	wrdreg s12  }
0x27: {  	s23 =	simm.s32 $0x2;
	s24 =	simm.s32 $0x6;
	[dreg:$0x17] =	wrdreg s13  }
.Ltmp0:
0x28: {  	s4 =	sadd.s32 s4, s7;
	[dreg:$0x18] =	wrdreg s14;
	(pc) =	sbr.rel .LBB2_1-.Ltmp0, $4  }
0x29: {  	s25 =	simm.s32 $0x4;
	s26 =	smax.u32 s8, $0x1;
	[dreg:$0x14] =	wrdreg s4  }
0x2a: {  	s0 =	sadd.s32 s0, s1;
	s14 =	simm.s32 $0x15F90;
	[smem:$0x7FD] =	sst s26  }
0x2b: {  	s8 =	sadd.s32 $0x1400, s0;
	s9 =	sadd.s32 $0x1180, s0;
	s11 =	sadd.s32 $0xF00, s0  }
0x2c: {  	v0 =	vimm.f32 $0.0e+00;
	s12 =	sadd.s32 $0xC80, s0;
	s13 =	sadd.s32 $0xA00, s0;
	s26 =	simm.s32 $0x8  }
.LBB2_6:
0x2d: {  	_ =	swait.ge [sflag:s28], $0x1400  }
0x2e: {  	[sflag:s28] =	ssyncset.done $0x0  }
0x2f: {  	[sflag:s28] =	ssyncadd.s32 $0xFFFFEC00  }
0x30: {  	[spmem:s2] =	stream.indirect.scatter.add.f32 [tilespmem:s18], [sflag:$0xA], $0x80, s0, s22, $0xb8;
	[tilespmem:$0x1D010] =	vst v63  }
0x31: {  	_ =	swait.ge [sflag:s29], $0x1400  }
0x32: {  	[sflag:s29] =	ssyncset.done $0x0  }
0x33: {  	[sflag:s29] =	ssyncadd.s32 $0xFFFFEC00  }
0x34: {  	_ =	swait.ge [sflag:s30], $0x1400  }
0x35: {  	[sflag:s30] =	ssyncset.done $0x0  }
0x36: {  	s6 =	stileid.u32;
	[sflag:s30] =	ssyncadd.s32 $0xFFFFEC00  }
0x37: {  	s0 =	sshll.u32 s6, $0x6;
	[bflag:$0x0] =	sbarrier.arrive $0xFFFF  }
0x38: {  	s1 =	sshrl.u32 s10, $0x3;
	s0 =	sor.u32 $0x1C0B, s0;
	s4 =	rddreg [dreg:$0x14]  }
0x39: {  	[hbm:s4], [sflag:s0] =	dma.local [spmem:s1], $0x2710  }
0x3a: {  	_ =	swait.ge [sflag:s19], $0x2710  }
0x3b: {  	s7 =	sld [smem:$0x7FD];
	_ =	sdelay $0x1  }
0x3c: {  	s31 =	sadd.s32 $0x1, s31  }
0x3d: {  	p0 =	sne.s32 s31, s7  }
.Ltmp1:
0x3e: {  	_ = 	snop;
	(pc) =	sbr.rel @!p0 .LBB2_7-.Ltmp1, $3  }
0x3f: {  	_ =	sdelay $0x1  }
0x40: {  	[sflag:s19] =	ssyncset.done $0x0  }
0x41: {  	[sflag:s19] =	ssyncadd.s32 $0xFFFFD8F0  }
.LBB2_1:
0x42: {  	s0 =	rddreg [dreg:$0x5]  }
0x43: {  	[tilespmem:s14], [sflag:$0x1] =	stream.linear.gather [hbm4b:s0+s3], $0x1400, $0x38;
	[tilespmem:$0x1D010] =	vst v63  }
0x44: {  	s1 =	rddreg [dreg:$0x6]  }
0x45: {  	[tilespmem:s15], [sflag:$0x2] =	stream.linear.gather [hbm4b:s1+s3], $0x1400, $0x38;
	[tilespmem:$0x1D010] =	vst v63  }
0x46: {  	s4 =	rddreg [dreg:$0x7]  }
0x47: {  	[tilespmem:s16], [sflag:$0x3] =	stream.linear.gather [hbm4b:s4+s3], $0x1400, $0x38;
	[tilespmem:$0x1D010] =	vst v63  }
0x48: {  	s5 =	rddreg [dreg:$0x8]  }
0x49: {  	[tilespmem:s17], [sflag:$0x4] =	stream.linear.gather [hbm4b:s5+s3], $0x1400, $0x38;
	[tilespmem:$0x1D010] =	vst v63  }
0x4a: {  	s6 =	rddreg [dreg:$0x9]  }
0x4b: {  	[tilespmem:s18], [sflag:$0x5] =	stream.linear.gather [hbm4b:s6+s3], $0x1400, $0x38;
	[tilespmem:$0x1D010] =	vst v63  }
0x4c: {  	s7 =	rddreg [dreg:$0xa];
	s1 =	simm.s32 $0x13880  }
0x4d: {  	[tilespmem:s1], [sflag:$0xB] =	stream.linear.gather [hbm4b:s7+s3], $0x2710, $0x38;
	[tilespmem:$0x1D010] =	vst v63  }
0x4e: {  	_ =	swait.ge [sflag:s19], $0x2710  }
0x4f: {  	[sflag:s19] =	ssyncset.done $0x0  }
0x50: {  	s0 =	simm.s32 $0x0;
	s1 =	simm.s32 $0x200;
	[sflag:s19] =	ssyncadd.s32 $0xFFFFD8F0  }
.LBB2_2:
0x51: {  	p0 =	sne.s32 s1, $0x3000;
	[tilespmem:s0+$0x1C400] =	vst v0  }
0x52: {  	[tilespmem:s0+$0x1C390] =	vst v0  }
0x53: {  	[tilespmem:s0+$0x1C3A0] =	vst v0  }
.Ltmp2:
0x54: {  	[tilespmem:s0+$0x1C3B0] =	vst v0;
	(pc) =	sbr.rel @p0 .LBB2_2-.Ltmp2, $4  }
0x55: {  	[tilespmem:s0+$0x1C3C0] =	vst v0  }
0x56: {  	[tilespmem:s0+$0x1C3D0] =	vst v0  }
0x57: {  	[tilespmem:s0+$0x1C3E0] =	vst v0  }
0x58: {  	[tilespmem:s0+$0x1C3F0] =	vst v0;
	s0 =	sshra.s32 s1, $0x2;
	s1 =	sadd.s32 $0x200, s1  }
0x59: {  	[tilespmem:s0+$0x1C400] =	vst v0  }
0x5a: {  	[tilespmem:s0+$0x1C390] =	vst v0  }
0x5b: {  	[tilespmem:s0+$0x1C3A0] =	vst v0  }
0x5c: {  	[tilespmem:s0+$0x1C3B0] =	vst v0  }
0x5d: {  	[tilespmem:s0+$0x1C3C0] =	vst v0  }
0x5e: {  	[tilespmem:s0+$0x1C3D0] =	vst v0  }
0x5f: {  	[tilespmem:s0+$0x1C3E0] =	vst v0  }
0x60: {  	[tilespmem:s0+$0x1C3F0] =	vst v0  }
0x61: {  	[spmem:s10] =	stream.linear.scatter [tilespmem:s20], [sflag:$0xB], $0xC80, $0x38;
	[tilespmem:$0x1D010] =	vst v63  }
0x62: {  	_ =	swait.ge [sflag:s19], $0xC80  }
0x63: {  	[sflag:s19] =	ssyncset.done $0x0  }
0x64: {  	s4 =	rddreg [dreg:$0xb];
	[sflag:s19] =	ssyncadd.s32 $0xFFFFF380  }
0x65: {  	[spmem:s4] =	stream.linear.scatter [tilespmem:s20], [sflag:$0xB], $0xC80, $0x38;
	[tilespmem:$0x1D010] =	vst v63  }
0x66: {  	_ =	swait.ge [sflag:s19], $0xC80  }
0x67: {  	[sflag:s19] =	ssyncset.done $0x0  }
0x68: {  	s5 =	rddreg [dreg:$0xc];
	[sflag:s19] =	ssyncadd.s32 $0xFFFFF380  }
0x69: {  	[spmem:s5] =	stream.linear.scatter [tilespmem:s20], [sflag:$0xB], $0xC80, $0x38;
	[tilespmem:$0x1D010] =	vst v63  }
0x6a: {  	_ =	swait.ge [sflag:s19], $0xC80  }
0x6b: {  	[sflag:s19] =	ssyncset.done $0x0  }
0x6c: {  	s6 =	rddreg [dreg:$0xd];
	[sflag:s19] =	ssyncadd.s32 $0xFFFFF380  }
0x6d: {  	[spmem:s6] =	stream.linear.scatter [tilespmem:s20], [sflag:$0xB], $0xC80, $0x38;
	[tilespmem:$0x1D010] =	vst v63  }
0x6e: {  	_ =	swait.ge [sflag:s19], $0xC80  }
0x6f: {  	[sflag:s19] =	ssyncset.done $0x0  }
0x70: {  	s7 =	rddreg [dreg:$0xe];
	[sflag:s19] =	ssyncadd.s32 $0xFFFFF380  }
0x71: {  	[spmem:s7] =	stream.linear.scatter [tilespmem:s20], [sflag:$0xB], $0xC80, $0x38;
	[tilespmem:$0x1D010] =	vst v63  }
0x72: {  	_ =	swait.ge [sflag:s19], $0xC80  }
0x73: {  	[sflag:s19] =	ssyncset.done $0x0  }
0x74: {  	s1 =	rddreg [dreg:$0xf];
	[sflag:s19] =	ssyncadd.s32 $0xFFFFF380  }
0x75: {  	[spmem:s1] =	stream.linear.scatter [tilespmem:s20], [sflag:$0xB], $0xC80, $0x38;
	[tilespmem:$0x1D010] =	vst v63  }
0x76: {  	_ =	swait.ge [sflag:s19], $0xC80  }
0x77: {  	[sflag:s19] =	ssyncset.done $0x0  }
0x78: {  	s4 =	rddreg [dreg:$0x10];
	[sflag:s19] =	ssyncadd.s32 $0xFFFFF380  }
0x79: {  	[spmem:s4] =	stream.linear.scatter [tilespmem:s20], [sflag:$0xB], $0xC80, $0x38;
	[tilespmem:$0x1D010] =	vst v63  }
0x7a: {  	_ =	swait.ge [sflag:s19], $0xC80  }
0x7b: {  	[sflag:s19] =	ssyncset.done $0x0  }
0x7c: {  	s5 =	rddreg [dreg:$0x11];
	[sflag:s19] =	ssyncadd.s32 $0xFFFFF380  }
0x7d: {  	[spmem:s5] =	stream.linear.scatter [tilespmem:s20], [sflag:$0xB], $0xC80, $0x38;
	[tilespmem:$0x1D010] =	vst v63  }
0x7e: {  	_ =	swait.ge [sflag:s19], $0xC80  }
0x7f: {  	[sflag:s19] =	ssyncset.done $0x0  }
0x80: {  	s6 =	rddreg [dreg:$0x12];
	[sflag:s19] =	ssyncadd.s32 $0xFFFFF380  }
0x81: {  	[spmem:s6] =	stream.linear.scatter [tilespmem:s20], [sflag:$0xB], $0xC80, $0x38;
	[tilespmem:$0x1D010] =	vst v63  }
0x82: {  	_ =	swait.ge [sflag:s19], $0xC80  }
0x83: {  	[sflag:s19] =	ssyncset.done $0x0  }
0x84: {  	s7 =	rddreg [dreg:$0x13];
	[sflag:s19] =	ssyncadd.s32 $0xFFFFF380  }
0x85: {  	[spmem:s7] =	stream.linear.scatter [tilespmem:s20], [sflag:$0xB], $0xC80, $0x38;
	[tilespmem:$0x1D010] =	vst v63  }
0x86: {  	_ =	swait.ge [sflag:s19], $0xC80  }
0x87: {  	[sflag:s19] =	ssyncset.done $0x0  }
0x88: {  	s1 =	rddreg [dreg:$0x15];
	[sflag:s19] =	ssyncadd.s32 $0xFFFFF380  }
0x89: {  	[spmem:s1] =	stream.linear.scatter [tilespmem:s20], [sflag:$0xB], $0xC80, $0x38;
	[tilespmem:$0x1D010] =	vst v63  }
0x8a: {  	_ =	swait.ge [sflag:s19], $0xC80  }
0x8b: {  	[sflag:s19] =	ssyncset.done $0x0  }
0x8c: {  	s4 =	rddreg [dreg:$0x16];
	[sflag:s19] =	ssyncadd.s32 $0xFFFFF380  }
0x8d: {  	[spmem:s4] =	stream.linear.scatter [tilespmem:s20], [sflag:$0xB], $0xC80, $0x38;
	[tilespmem:$0x1D010] =	vst v63  }
0x8e: {  	_ =	swait.ge [sflag:s19], $0xC80  }
0x8f: {  	[sflag:s19] =	ssyncset.done $0x0  }
0x90: {  	s5 =	rddreg [dreg:$0x17];
	[sflag:s19] =	ssyncadd.s32 $0xFFFFF380  }
0x91: {  	[spmem:s5] =	stream.linear.scatter [tilespmem:s20], [sflag:$0xB], $0xC80, $0x38;
	[tilespmem:$0x1D010] =	vst v63  }
0x92: {  	_ =	swait.ge [sflag:s19], $0xC80  }
0x93: {  	[sflag:s19] =	ssyncset.done $0x0  }
0x94: {  	s6 =	rddreg [dreg:$0x18];
	[sflag:s19] =	ssyncadd.s32 $0xFFFFF380  }
0x95: {  	[spmem:s6] =	stream.linear.scatter [tilespmem:s20], [sflag:$0xB], $0xC80, $0x38;
	[tilespmem:$0x1D010] =	vst v63  }
0x96: {  	_ =	swait.ge [sflag:s19], $0xC80  }
0x97: {  	[sflag:s19] =	ssyncset.done $0x0  }
0x98: {  	s7 =	rddreg [dreg:$0x19];
	[sflag:s19] =	ssyncadd.s32 $0xFFFFF380  }
0x99: {  	[spmem:s7] =	stream.linear.scatter [tilespmem:s20], [sflag:$0xB], $0xC80, $0x38;
	[tilespmem:$0x1D010] =	vst v63  }
0x9a: {  	_ =	swait.ge [sflag:s19], $0xC80  }
0x9b: {  	[sflag:s19] =	ssyncset.done $0x0  }
0x9c: {  	s1 =	rddreg [dreg:$0x1a];
	[sflag:s19] =	ssyncadd.s32 $0xFFFFF380  }
0x9d: {  	[spmem:s1] =	stream.linear.scatter [tilespmem:s20], [sflag:$0xB], $0xC80, $0x38;
	[tilespmem:$0x1D010] =	vst v63  }
0x9e: {  	_ =	swait.ge [sflag:s19], $0xC80  }
0x9f: {  	[sflag:s19] =	ssyncset.done $0x0  }
0xa0: {  	s4 =	rddreg [dreg:$0x1b];
	[sflag:s19] =	ssyncadd.s32 $0xFFFFF380  }
0xa1: {  	[spmem:s4] =	stream.linear.scatter [tilespmem:s20], [sflag:$0xB], $0xC80, $0x38;
	[tilespmem:$0x1D010] =	vst v63  }
0xa2: {  	_ =	swait.ge [sflag:s19], $0xC80  }
0xa3: {  	[sflag:s19] =	ssyncset.done $0x0  }
0xa4: {  	s5 =	rddreg [dreg:$0x1c];
	[sflag:s19] =	ssyncadd.s32 $0xFFFFF380  }
0xa5: {  	[spmem:s5] =	stream.linear.scatter [tilespmem:s20], [sflag:$0xB], $0xC80, $0x38;
	[tilespmem:$0x1D010] =	vst v63  }
0xa6: {  	_ =	swait.ge [sflag:s19], $0xC80  }
0xa7: {  	[sflag:s19] =	ssyncset.done $0x0  }
0xa8: {  	s6 =	rddreg [dreg:$0x1d];
	[sflag:s19] =	ssyncadd.s32 $0xFFFFF380  }
0xa9: {  	[spmem:s6] =	stream.linear.scatter [tilespmem:s20], [sflag:$0xB], $0xC80, $0x38;
	[tilespmem:$0x1D010] =	vst v63  }
0xaa: {  	_ =	swait.ge [sflag:s19], $0xC80  }
0xab: {  	[sflag:s19] =	ssyncset.done $0x0  }
0xac: {  	s7 =	rddreg [dreg:$0x1e];
	[sflag:s19] =	ssyncadd.s32 $0xFFFFF380  }
0xad: {  	[spmem:s7] =	stream.linear.scatter [tilespmem:s20], [sflag:$0xB], $0xC80, $0x38;
	[tilespmem:$0x1D010] =	vst v63  }
0xae: {  	_ =	swait.ge [sflag:s19], $0xC80  }
0xaf: {  	[sflag:s19] =	ssyncset.done $0x0  }
0xb0: {  	s1 =	rddreg [dreg:$0x1f];
	[sflag:s19] =	ssyncadd.s32 $0xFFFFF380  }
0xb1: {  	[spmem:s1] =	stream.linear.scatter [tilespmem:s20], [sflag:$0xB], $0xC80, $0x38;
	[tilespmem:$0x1D010] =	vst v63  }
0xb2: {  	_ =	swait.ge [sflag:s19], $0xC80  }
0xb3: {  	s4 =	sld [smem:$0x7F9]  }
0xb4: {  	[sflag:s19] =	ssyncset.done $0x0  }
0xb5: {  	[sflag:s19] =	ssyncadd.s32 $0xFFFFF380  }
0xb6: {  	[spmem:s4] =	stream.linear.scatter [tilespmem:s20], [sflag:$0xB], $0xC80, $0x38;
	[tilespmem:$0x1D010] =	vst v63  }
0xb7: {  	_ =	swait.ge [sflag:s19], $0xC80  }
0xb8: {  	s5 =	sld [smem:$0x7FA]  }
0xb9: {  	[sflag:s19] =	ssyncset.done $0x0  }
0xba: {  	[sflag:s19] =	ssyncadd.s32 $0xFFFFF380  }
0xbb: {  	[spmem:s5] =	stream.linear.scatter [tilespmem:s20], [sflag:$0xB], $0xC80, $0x38;
	[tilespmem:$0x1D010] =	vst v63  }
0xbc: {  	_ =	swait.ge [sflag:s19], $0xC80  }
0xbd: {  	s6 =	sld [smem:$0x7FB]  }
0xbe: {  	[sflag:s19] =	ssyncset.done $0x0  }
0xbf: {  	[sflag:s19] =	ssyncadd.s32 $0xFFFFF380  }
0xc0: {  	[spmem:s6] =	stream.linear.scatter [tilespmem:s20], [sflag:$0xB], $0xC80, $0x38;
	[tilespmem:$0x1D010] =	vst v63  }
0xc1: {  	_ =	swait.ge [sflag:s19], $0xC80  }
0xc2: {  	s7 =	sld [smem:$0x7FC]  }
0xc3: {  	[sflag:s19] =	ssyncset.done $0x0  }
0xc4: {  	[sflag:s19] =	ssyncadd.s32 $0xFFFFF380  }
0xc5: {  	[spmem:s7] =	stream.linear.scatter [tilespmem:s20], [sflag:$0xB], $0xC80, $0x38;
	[tilespmem:$0x1D010] =	vst v63  }
0xc6: {  	_ =	swait.ge [sflag:s19], $0xC80  }
0xc7: {  	[sflag:s19] =	ssyncset.done $0x0  }
0xc8: {  	[sflag:s19] =	ssyncadd.s32 $0xFFFFF380  }
0xc9: {  	s0 =	simm.s32 $0x13920;
	s1 =	simm.s32 $0x0;
	[bflag:$0x0] =	sbarrier.arrive $0xFFFF  }
.LBB2_4:
0xca: {  	_ =	swait.ge [sflag:s21], $0x1400  }
0xcb: {  	[sflag:s21] =	ssyncset.done $0x0  }
0xcc: {  	s4 =	sadd.s32 $0xFFFFFF60, s0;
	p0 =	seq.s32 s1, $0x0;
	[sflag:s21] =	ssyncadd.s32 $0xFFFFEC00  }
0xcd: {  	[spmem:s2] =	stream.indirect.scatter.add.f32 [tilespmem:s14], [sflag:$0x6], $0x80, s4, s22, $0xb8;
	[tilespmem:$0x1D010] =	vst v63  }
0xce: {  	s4 =	simm.s32 @!p0 $0xA  }
0xcf: {  	_ =	swait.ge @!p0 [sflag:s4], $0x1400  }
0xd0: {  	s5 =	simm.s32 @!p0 $0x0;
	[sflag:s4] =	ssyncset.done @!p0 $0x0  }
0xd1: {  	s6 =	simm.s32 @!p0 $0x1AF90;
	[sflag:s4] =	ssyncadd.s32 @!p0 $0xFFFFEC00;
	s4 =	sadd.s32 @!p0 s1, s13  }
0xd2: {  	[tilespmem:s6], [sflag:$0x5] =	stream.linear.gather @!p0 [hbm4b:s4+s5], $0x1400, $0x38;
	[tilespmem:$0x1D010] =	vst v63  }
0xd3: {  	_ =	swait.ge [sflag:s23], $0x1400  }
0xd4: {  	[sflag:s23] =	ssyncset.done $0x0  }
0xd5: {  	s6 =	sadd.s32 $0xFFFFFF88, s0;
	[sflag:s23] =	ssyncadd.s32 $0xFFFFEC00  }
0xd6: {  	[spmem:s2] =	stream.indirect.scatter.add.f32 [tilespmem:s15], [sflag:$0x7], $0x80, s6, s22, $0xb8;
	[tilespmem:$0x1D010] =	vst v63  }
0xd7: {  	_ =	swait.ge [sflag:s24], $0x1400  }
0xd8: {  	p0 =	seq.s32 s1, $0x26480;
	[sflag:s24] =	ssyncset.done $0x0  }
0xd9: {  	s4 =	simm.s32 @p0 $0x3;
	[sflag:s24] =	ssyncadd.s32 $0xFFFFEC00  }
0xda: {  	_ =	swait.ge @p0 [sflag:s4], $0x1400  }
0xdb: {  	s5 =	simm.s32 @p0 $0x28;
	[sflag:s4] =	ssyncset.done @p0 $0x0  }
0xdc: {  	s6 =	simm.s32 @p0 $0x18790;
	[sflag:s4] =	ssyncadd.s32 @p0 $0xFFFFEC00;
	s4 =	sadd.s32 @p0 $0xFFFFFFB0, s0  }
0xdd: {  	[spmem:s2] =	stream.indirect.scatter.add.f32 @p0 [tilespmem:s6], [sflag:$0x8], $0x80, s4, s5, $0xb8;
	[tilespmem:$0x1D010] =	vst v63  }
0xde: {  	s4 =	simm.s32 @p0 $0x7  }
0xdf: {  	_ =	swait.ge @p0 [sflag:s4], $0x1400  }
0xe0: {  	s5 =	simm.s32 @!p0 $0x0;
	[sflag:s4] =	ssyncset.done @p0 $0x0  }
0xe1: {  	s6 =	simm.s32 @!p0 $0x15F90;
	[sflag:s4] =	ssyncadd.s32 @p0 $0xFFFFEC00;
	s4 =	sadd.s32 @!p0 s1, s12  }
0xe2: {  	[tilespmem:s6], [sflag:$0x1] =	stream.linear.gather @!p0 [hbm4b:s4+s5], $0x1400, $0x38;
	[tilespmem:$0x1D010] =	vst v63  }
0xe3: {  	s4 =	simm.s32 @!p0 $0x3  }
0xe4: {  	_ =	swait.ge @!p0 [sflag:s4], $0x1400  }
0xe5: {  	s7 =	simm.s32 @!p0 $0x18790;
	[sflag:s4] =	ssyncset.done @!p0 $0x0  }
0xe6: {  	s6 =	simm.s32 @!p0 $0x28;
	[sflag:s4] =	ssyncadd.s32 @!p0 $0xFFFFEC00;
	s4 =	sadd.s32 @!p0 $0xFFFFFFB0, s0  }
0xe7: {  	[spmem:s2] =	stream.indirect.scatter.add.f32 @!p0 [tilespmem:s7], [sflag:$0x8], $0x80, s4, s6, $0xb8;
	[tilespmem:$0x1D010] =	vst v63  }
0xe8: {  	s4 =	simm.s32 @!p0 $0x7  }
0xe9: {  	_ =	swait.ge @!p0 [sflag:s4], $0x1400  }
0xea: {  	[sflag:s4] =	ssyncset.done @!p0 $0x0  }
0xeb: {  	s6 =	simm.s32 @!p0 $0x17390;
	[sflag:s4] =	ssyncadd.s32 @!p0 $0xFFFFEC00;
	s4 =	sadd.s32 @!p0 s1, s11  }
0xec: {  	[tilespmem:s6], [sflag:$0x2] =	stream.linear.gather @!p0 [hbm4b:s4+s5], $0x1400, $0x38;
	[tilespmem:$0x1D010] =	vst v63  }
0xed: {  	_ =	swait.ge [sflag:s25], $0x1400  }
0xee: {  	[sflag:s25] =	ssyncset.done $0x0  }
.Ltmp3:
0xef: {  	s7 =	sadd.s32 $0xFFFFFFD8, s0;
	[sflag:s25] =	ssyncadd.s32 $0xFFFFEC00;
	(pc) =	sbr.rel @p0 .LBB2_6-.Ltmp3, $4  }
0xf0: {  	[spmem:s2] =	stream.indirect.scatter.add.f32 [tilespmem:s17], [sflag:$0x9], $0x80, s7, s22, $0xb8;
	[tilespmem:$0x1D010] =	vst v63  }
0xf1: {  	_ =	swait.ge [sflag:s26], $0x1400  }
0xf2: {  	[sflag:s26] =	ssyncset.done $0x0  }
0xf3: {  	[sflag:s26] =	ssyncadd.s32 $0xFFFFEC00  }
0xf4: {  	s4 =	sadd.s32 s1, s9  }
0xf5: {  	[tilespmem:s16], [sflag:$0x3] =	stream.linear.gather [hbm4b:s4+s3], $0x1400, $0x38;
	[tilespmem:$0x1D010] =	vst v63  }
0xf6: {  	_ =	swait.ge [sflag:s28], $0x1400  }
0xf7: {  	[sflag:s28] =	ssyncset.done $0x0  }
0xf8: {  	[sflag:s28] =	ssyncadd.s32 $0xFFFFEC00  }
0xf9: {  	[spmem:s2] =	stream.indirect.scatter.add.f32 [tilespmem:s18], [sflag:$0xA], $0x80, s0, s22, $0xb8;
	[tilespmem:$0x1D010] =	vst v63  }
.Ltmp4:
0xfa: {  	_ = 	snop;
	(pc) =	sbr.rel .LBB2_4-.Ltmp4, $4  }
0xfb: {  	_ =	swait.ge [sflag:s29], $0x1400  }
0xfc: {  	s7 =	sadd.s32 s1, s8;
	[sflag:s29] =	ssyncset.done $0x0  }
0xfd: {  	s1 =	sadd.s32 $0xC80, s1;
	s0 =	sadd.s32 $0xC8, s0;
	[sflag:s29] =	ssyncadd.s32 $0xFFFFEC00  }
0xfe: {  	[tilespmem:s17], [sflag:$0x4] =	stream.linear.gather [hbm4b:s7+s3], $0x1400, $0x38;
	[tilespmem:$0x1D010] =	vst v63  }
.LBB2_7:
0xff: {  	_ =	sfence.sel $0x180000  }
0x100: {  	[bflag:$0x0] =	sbarrier.arrive $0xFFFF  }
0x101: {  	_ =	strace $0x90000047  }
0x102: {  	s0 =	stileid.u32;
	[bflag:$0x2] =	sbarrier.arrive $0xFFFF  }
0x103: {  	p0 =	sne.s32 s0, $0x0;
	s0 =	rddreg [dreg:$0x4]  }
0x104: {  	s0 =	sadd.s32 @!p0 $0x100000, s0  }
0x105: {  	[sflag:s0] =	ssyncadd.tile.s32 @!p0 $0x1;
	_ =	shalt  }
.Lfunc_end2:
_tile_overlayer_lowered:
.L_overlay_start_2:
0x106: {  	(tag) =	ssettag $0x2  }
0x107: {  	s0 =	rddreg [dreg:$0x0];
	s2 =	stileid.u32  }
0x108: {  	s1 =	rddreg [dreg:$0x1];
	p0 =	sne.s32 s2, $0x0  }
0x109: {  	s3 =	rddreg [dreg:$0x2];
	[bflag:$0x3] =	sbarrier.arrive $0xFFFF;
	s2 =	simm.s32 @!p0 $0x1C0B  }
0x10a: {  	[timem:s3], [sflag:s2] =	dma.local @!p0 [hbm:s0], s1  }
0x10b: {  	s0 =	simm.s32 @!p0 $0xB  }
0x10c: {  	_ =	swait.ge @!p0 [sflag:s0], s1  }
0x10d: {  	s1 =	ssub.s32 @!p0 $0x0, s1;
	[sflag:s0] =	ssyncset.done @!p0 $0x0  }
0x10e: {  	[sflag:s0] =	ssyncadd.s32 @!p0 s1  }
0x10f: {  	[bflag:$0x3] =	sbarrier.arrive $0xFFFF  }
0x110: {  	_ =	shalt  }

</sc_bundles>
